<compile_context>
chip_gen: v7x
topology: tpu7x:2x2x1
jax: 0.10.2.dev20260603
libtpu: 0.0.44.dev20260713+nightly
codegen_flags: <defaults>
</compile_context>

<pallas_src>
import functools

import jax
import jax.numpy as jnp
from jax import lax
from jax.experimental import pallas as pl
from jax.experimental.pallas import tpu as pltpu
from jax.experimental.pallas import tpu_sc as plsc

D = 768
B = 4
L = 8192
NC = 2
NS = 16
NW = NC * NS
B_PER_W = (B * L) // NW
W_PER_ROW = L // B_PER_W
CHUNK = 64
NCHUNK = B_PER_W // CHUNK


def _posenc_body(x_hbm, pe_hbm, out_hbm, idx_v, rows0, rows1, gs0, gs1, ss0, ss1):
    wid = lax.axis_index("s") * NC + lax.axis_index("c")
    row = wid // W_PER_ROW
    col = (wid % W_PER_ROW) * B_PER_W
    pltpu.sync_copy(x_hbm.at[row, pl.ds(col, B_PER_W)], idx_v)

    rows = (rows0, rows1)
    gsem = (gs0, gs1)
    ssem = (ss0, ss1)

    gops = [None] * NCHUNK
    sops = [None] * NCHUNK
    gops[0] = pltpu.async_copy(pe_hbm.at[idx_v.at[pl.ds(0, CHUNK)]], rows[0], gs0)
    for c in range(NCHUNK):
        b = c % 2
        if c + 1 < NCHUNK:
            nb = (c + 1) % 2
            if c >= 1:
                sops[c - 1].wait()
            gops[c + 1] = pltpu.async_copy(
                pe_hbm.at[idx_v.at[pl.ds((c + 1) * CHUNK, CHUNK)]], rows[nb], gsem[nb])
        gops[c].wait()
        sops[c] = pltpu.async_copy(
            rows[b], out_hbm.at[row, pl.ds(col + c * CHUNK, CHUNK)], ssem[b])
    sops[NCHUNK - 2].wait()
    sops[NCHUNK - 1].wait()


@jax.jit
def _posenc(x, pe):
    k = pl.kernel(
        _posenc_body,
        out_type=jax.ShapeDtypeStruct((B, L, D), jnp.float32),
        mesh=plsc.VectorSubcoreMesh(core_axis_name="c", subcore_axis_name="s"),
        scratch_types=[
            pltpu.VMEM((B_PER_W,), jnp.int32),
            pltpu.VMEM((CHUNK, D), jnp.float32),
            pltpu.VMEM((CHUNK, D), jnp.float32),
            pltpu.SemaphoreType.DMA,
            pltpu.SemaphoreType.DMA,
            pltpu.SemaphoreType.DMA,
            pltpu.SemaphoreType.DMA,
        ],
    )
    return k(x, pe)


def kernel(x, pe):
    return _posenc(x.astype(jnp.int32), pe)

# --- scband reference (transcript-rebuilt; emitter-appended) ---
"""Pipeline reference for scband-pos-enc-20117626815196 (READ-ONLY COPY).

The authoritative reference and input builder live on the scoring server;
editing this copy changes nothing except your own understanding.
"""

import math
import jax, jax.numpy as jnp
import numpy as np

MAX_INPUT_LEN = 8192
D = 768


def get_timing_signal_1d(length, channels, min_timescale=1.0, max_timescale=10000.0, start_index=0):
    position = (jnp.arange(length) + start_index).astype(jnp.float32)
    num_timescales = channels // 2
    log_timescale_increment = math.log(float(max_timescale) / float(min_timescale)) / max(float(num_timescales) - 1.0, 1.0)
    inv_timescales = min_timescale * jnp.exp(jnp.arange(num_timescales).astype(jnp.float32) * -log_timescale_increment)
    scaled_time = position[:, None] * inv_timescales[None, :]
    signal = jnp.concatenate([jnp.sin(scaled_time), jnp.cos(scaled_time)], axis=1)
    signal = jnp.pad(signal, [[0, 0], [0, channels % 2]])
    return signal  # [length, channels]


def setup_inputs(seed: int = 0) -> dict:
    key = jax.random.key(seed)
    x = jax.random.randint(key, (4, 8192), 0, MAX_INPUT_LEN, dtype=jnp.int64 if jax.config.jax_enable_x64 else jnp.int32)
    pe = get_timing_signal_1d(MAX_INPUT_LEN, D)  # float32 [8192, 768]
    return {"x": x, "pe": pe}


def reference(x, pe):
    # PosEnc.call: tf.nn.embedding_lookup(self.pe, tf.cast(x, tf.int32))
    idx = x.astype(jnp.int32)
    return jnp.take(pe, idx, axis=0)  # [B, L, D]

if __name__ == "__main__":
    import jax
    _d = setup_inputs()
    print(jax.jit(kernel)(*tuple(_d.values())))

</pallas_src>

<mosaic_0001>
#map = affine_map<(d0, d1) -> (0, 0)>
#map1 = affine_map<(d0, d1) -> (0, 0, 0)>
module attributes {stable_mosaic.version = 14 : i64} {
  func.func @_posenc_body(%arg0: i32, %arg1: i32, %arg2: memref<4x8192xi32, #tpu.memory_space<hbm>>, %arg3: memref<8192x768xf32, #tpu.memory_space<hbm>>, %arg4: memref<4x8192x768xf32, #tpu.memory_space<hbm>>, %arg5: memref<1024xi32, #tpu.memory_space<vmem>>, %arg6: memref<64x768xf32, #tpu.memory_space<vmem>>, %arg7: memref<64x768xf32, #tpu.memory_space<vmem>>, %arg8: memref<!tpu.dma_semaphore, #tpu.memory_space<semaphore_mem>>, %arg9: memref<!tpu.dma_semaphore, #tpu.memory_space<semaphore_mem>>, %arg10: memref<!tpu.dma_semaphore, #tpu.memory_space<semaphore_mem>>, %arg11: memref<!tpu.dma_semaphore, #tpu.memory_space<semaphore_mem>>) attributes {dimension_semantics = [#tpu.dimension_semantics<core_parallel>, #tpu.dimension_semantics<subcore_parallel>], iteration_bounds = array<i64: 2, 16>, scalar_prefetch = 0 : i64, scratch_operands = 7 : i64, tpu.core_type = #tpu.core_type<sc_vector_subcore>, window_params = [{transform_indices = #map}, {transform_indices = #map}, {transform_indices = #map1}]} {
    %mul3A = arith.constant 2 : i32
    %mul3A_0 = arith.muli %arg1, %mul3A : i32
    %add3A = arith.addi %mul3A_0, %arg0 : i32
    %jit3A = arith.constant 8 : i32
    %div3A = arith.divsi %add3A, %jit3A : i32
    %sign3A = arith.constant 0 : i32
    %sign3A_1 = arith.cmpi sgt, %add3A, %sign3A : i32
    %sign3A_2 = arith.extui %sign3A_1 : i1 to i32
    %sign3A_3 = arith.constant 0 : i32
    %sign3A_4 = arith.cmpi slt, %add3A, %sign3A_3 : i32
    %sign3A_5 = arith.extui %sign3A_4 : i1 to i32
    %sign3A_6 = arith.subi %sign3A_2, %sign3A_5 : i32
    %sign3A_7 = arith.constant 0 : i32
    %sign3A_8 = arith.cmpi sgt, %jit3A, %sign3A_7 : i32
    %sign3A_9 = arith.extui %sign3A_8 : i1 to i32
    %sign3A_10 = arith.constant 0 : i32
    %sign3A_11 = arith.cmpi slt, %jit3A, %sign3A_10 : i32
    %sign3A_12 = arith.extui %sign3A_11 : i1 to i32
    %sign3A_13 = arith.subi %sign3A_9, %sign3A_12 : i32
    %ne3A = arith.cmpi ne, %sign3A_6, %sign3A_13 : i32
    %rem3A = arith.remsi %add3A, %jit3A : i32
    %ne3A_14 = arith.constant 0 : i32
    %ne3A_15 = arith.cmpi ne, %rem3A, %ne3A_14 : i32
    %and3A = arith.andi %ne3A, %ne3A_15 : i1
    %sub3A = arith.constant 1 : i32
    %sub3A_16 = arith.subi %div3A, %sub3A : i32
    %select_n3A = arith.select %and3A, %sub3A_16, %div3A : i32
    %jit3A_17 = arith.constant 8 : i32
    %eq3A = arith.constant 0 : i32
    %eq3A_18 = arith.cmpi eq, %jit3A_17, %eq3A : i32
    %jit3A_19 = arith.constant 1 : i32
    %select_n3A_20 = arith.select %eq3A_18, %jit3A_19, %jit3A_17 : i32
    %rem3A_21 = arith.remsi %add3A, %select_n3A_20 : i32
    %ne3A_22 = arith.constant 0 : i32
    %ne3A_23 = arith.cmpi ne, %rem3A_21, %ne3A_22 : i32
    %lt3A = arith.constant 0 : i32
    %lt3A_24 = arith.cmpi slt, %rem3A_21, %lt3A : i32
    %lt3A_25 = arith.constant 0 : i32
    %lt3A_26 = arith.cmpi slt, %select_n3A_20, %lt3A_25 : i32
    %ne3A_27 = arith.xori %lt3A_24, %lt3A_26 : i1
    %and3A_28 = arith.andi %ne3A_27, %ne3A_23 : i1
    %add3A_29 = arith.addi %rem3A_21, %select_n3A_20 : i32
    %select_n3A_30 = arith.select %and3A_28, %add3A_29, %rem3A_21 : i32
    %mul3A_31 = arith.constant 1024 : i32
    %mul3A_32 = arith.muli %select_n3A_30, %mul3A_31 : i32
    "tpu.region"() ({
      %run_scoped3A = tpu.sem_alloc : memref<!tpu.dma_semaphore, #tpu.memory_space<semaphore_mem>>
      %dma_start3A_415 = tpu.memref_slice %arg2[%select_n3A, %mul3A_32] : memref<4x8192xi32, #tpu.memory_space<hbm>> -> memref<1x1024xi32, #tpu.memory_space<hbm>>
      %dma_start3A_416 = tpu.memref_squeeze %dma_start3A_415 : memref<1x1024xi32, #tpu.memory_space<hbm>> -> memref<1024xi32, #tpu.memory_space<hbm>>
      %dma_start3A_417 = tpu.memref_slice %arg2[%select_n3A, %mul3A_32] : memref<4x8192xi32, #tpu.memory_space<hbm>> -> memref<1x1024xi32, #tpu.memory_space<hbm>>
      %dma_start3A_418 = tpu.memref_squeeze %dma_start3A_417 : memref<1x1024xi32, #tpu.memory_space<hbm>> -> memref<1024xi32, #tpu.memory_space<hbm>>
      tpu.enqueue_dma source(%dma_start3A_418 : memref<1024xi32, #tpu.memory_space<hbm>>) target(%arg5 : memref<1024xi32, #tpu.memory_space<vmem>>) target_semaphore(%run_scoped3A : memref<!tpu.dma_semaphore, #tpu.memory_space<semaphore_mem>>)
      %dma_wait3A_419 = tpu.memref_slice %arg2[%select_n3A, %mul3A_32] : memref<4x8192xi32, #tpu.memory_space<hbm>> -> memref<1x1024xi32, #tpu.memory_space<hbm>>
      %dma_wait3A_420 = tpu.memref_squeeze %dma_wait3A_419 : memref<1x1024xi32, #tpu.memory_space<hbm>> -> memref<1024xi32, #tpu.memory_space<hbm>>
      %dma_wait3A_421 = tpu.memref_slice %arg2[%select_n3A, %mul3A_32] : memref<4x8192xi32, #tpu.memory_space<hbm>> -> memref<1x1024xi32, #tpu.memory_space<hbm>>
      %dma_wait3A_422 = tpu.memref_squeeze %dma_wait3A_421 : memref<1x1024xi32, #tpu.memory_space<hbm>> -> memref<1024xi32, #tpu.memory_space<hbm>>
      tpu.wait_dma2 semaphore(%run_scoped3A : memref<!tpu.dma_semaphore, #tpu.memory_space<semaphore_mem>>) src(%dma_wait3A_422 : memref<1024xi32, #tpu.memory_space<hbm>>) dst(%arg5 : memref<1024xi32, #tpu.memory_space<vmem>>)
      tpu.yield
    }) : () -> ()
    %dma_start3A = arith.constant 0 : i32
    %dma_start3A_33 = tpu.memref_slice %arg5[%dma_start3A] : memref<1024xi32, #tpu.memory_space<vmem>> -> memref<64xi32, #tpu.memory_space<vmem>>
    %dma_start3A_34 = arith.constant 0 : i32
    %dma_start3A_35 = arith.constant 0 : i32
    %dma_start3A_36 = tpu.memref_slice %arg3[%dma_start3A_34, %dma_start3A_35] : memref<8192x768xf32, #tpu.memory_space<hbm>> -> memref<8192x768xf32, #tpu.memory_space<hbm>>
    tpu.enqueue_indirect_dma source(%dma_start3A_36 : memref<8192x768xf32, #tpu.memory_space<hbm>>) target(%arg6 : memref<64x768xf32, #tpu.memory_space<vmem>>) offsets(%dma_start3A_33 : memref<64xi32, #tpu.memory_space<vmem>>) semaphore(%arg8 : memref<!tpu.dma_semaphore, #tpu.memory_space<semaphore_mem>>)
    %dma_start3A_37 = arith.constant 64 : i32
    %dma_start3A_38 = tpu.memref_slice %arg5[%dma_start3A_37] : memref<1024xi32, #tpu.memory_space<vmem>> -> memref<64xi32, #tpu.memory_space<vmem>>
    %dma_start3A_39 = arith.constant 0 : i32
    %dma_start3A_40 = arith.constant 0 : i32
    %dma_start3A_41 = tpu.memref_slice %arg3[%dma_start3A_39, %dma_start3A_40] : memref<8192x768xf32, #tpu.memory_space<hbm>> -> memref<8192x768xf32, #tpu.memory_space<hbm>>
    tpu.enqueue_indirect_dma source(%dma_start3A_41 : memref<8192x768xf32, #tpu.memory_space<hbm>>) target(%arg7 : memref<64x768xf32, #tpu.memory_space<vmem>>) offsets(%dma_start3A_38 : memref<64xi32, #tpu.memory_space<vmem>>) semaphore(%arg9 : memref<!tpu.dma_semaphore, #tpu.memory_space<semaphore_mem>>)
    %dma_wait3A = arith.constant 0 : i32
    %dma_wait3A_42 = tpu.memref_slice %arg5[%dma_wait3A] : memref<1024xi32, #tpu.memory_space<vmem>> -> memref<64xi32, #tpu.memory_space<vmem>>
    %dma_wait3A_43 = arith.constant 0 : i32
    %dma_wait3A_44 = arith.constant 0 : i32
    %dma_wait3A_45 = tpu.memref_slice %arg3[%dma_wait3A_43, %dma_wait3A_44] : memref<8192x768xf32, #tpu.memory_space<hbm>> -> memref<8192x768xf32, #tpu.memory_space<hbm>>
    tpu.wait_indirect_dma semaphore(%arg8 : memref<!tpu.dma_semaphore, #tpu.memory_space<semaphore_mem>>) src(%dma_wait3A_45 : memref<8192x768xf32, #tpu.memory_space<hbm>>) dst(%arg6 : memref<64x768xf32, #tpu.memory_space<vmem>>)
    %add3A_46 = arith.constant 0 : i32
    %add3A_47 = arith.addi %mul3A_32, %add3A_46 : i32
    %dma_start3A_48 = arith.constant 0 : i32
    %dma_start3A_49 = tpu.memref_slice %arg4[%select_n3A, %add3A_47, %dma_start3A_48] : memref<4x8192x768xf32, #tpu.memory_space<hbm>> -> memref<1x64x768xf32, #tpu.memory_space<hbm>>
    %dma_start3A_50 = tpu.memref_squeeze %dma_start3A_49 : memref<1x64x768xf32, #tpu.memory_space<hbm>> -> memref<64x768xf32, #tpu.memory_space<hbm>>
    %dma_start3A_51 = arith.constant 0 : i32
    %dma_start3A_52 = tpu.memref_slice %arg4[%select_n3A, %add3A_47, %dma_start3A_51] : memref<4x8192x768xf32, #tpu.memory_space<hbm>> -> memref<1x64x768xf32, #tpu.memory_space<hbm>>
    %dma_start3A_53 = tpu.memref_squeeze %dma_start3A_52 : memref<1x64x768xf32, #tpu.memory_space<hbm>> -> memref<64x768xf32, #tpu.memory_space<hbm>>
    tpu.enqueue_dma source(%arg6 : memref<64x768xf32, #tpu.memory_space<vmem>>) target(%dma_start3A_53 : memref<64x768xf32, #tpu.memory_space<hbm>>) target_semaphore(%arg10 : memref<!tpu.dma_semaphore, #tpu.memory_space<semaphore_mem>>)
    %dma_wait3A_54 = arith.constant 0 : i32
    %dma_wait3A_55 = tpu.memref_slice %arg4[%select_n3A, %add3A_47, %dma_wait3A_54] : memref<4x8192x768xf32, #tpu.memory_space<hbm>> -> memref<1x64x768xf32, #tpu.memory_space<hbm>>
    %dma_wait3A_56 = tpu.memref_squeeze %dma_wait3A_55 : memref<1x64x768xf32, #tpu.memory_space<hbm>> -> memref<64x768xf32, #tpu.memory_space<hbm>>
    %dma_wait3A_57 = arith.constant 0 : i32
    %dma_wait3A_58 = tpu.memref_slice %arg4[%select_n3A, %add3A_47, %dma_wait3A_57] : memref<4x8192x768xf32, #tpu.memory_space<hbm>> -> memref<1x64x768xf32, #tpu.memory_space<hbm>>
    %dma_wait3A_59 = tpu.memref_squeeze %dma_wait3A_58 : memref<1x64x768xf32, #tpu.memory_space<hbm>> -> memref<64x768xf32, #tpu.memory_space<hbm>>
    tpu.wait_dma2 semaphore(%arg10 : memref<!tpu.dma_semaphore, #tpu.memory_space<semaphore_mem>>) src(%arg6 : memref<64x768xf32, #tpu.memory_space<vmem>>) dst(%dma_wait3A_59 : memref<64x768xf32, #tpu.memory_space<hbm>>)
    %dma_start3A_60 = arith.constant 128 : i32
    %dma_start3A_61 = tpu.memref_slice %arg5[%dma_start3A_60] : memref<1024xi32, #tpu.memory_space<vmem>> -> memref<64xi32, #tpu.memory_space<vmem>>
    %dma_start3A_62 = arith.constant 0 : i32
    %dma_start3A_63 = arith.constant 0 : i32
    %dma_start3A_64 = tpu.memref_slice %arg3[%dma_start3A_62, %dma_start3A_63] : memref<8192x768xf32, #tpu.memory_space<hbm>> -> memref<8192x768xf32, #tpu.memory_space<hbm>>
    tpu.enqueue_indirect_dma source(%dma_start3A_64 : memref<8192x768xf32, #tpu.memory_space<hbm>>) target(%arg6 : memref<64x768xf32, #tpu.memory_space<vmem>>) offsets(%dma_start3A_61 : memref<64xi32, #tpu.memory_space<vmem>>) semaphore(%arg8 : memref<!tpu.dma_semaphore, #tpu.memory_space<semaphore_mem>>)
    %dma_wait3A_65 = arith.constant 64 : i32
    %dma_wait3A_66 = tpu.memref_slice %arg5[%dma_wait3A_65] : memref<1024xi32, #tpu.memory_space<vmem>> -> memref<64xi32, #tpu.memory_space<vmem>>
    %dma_wait3A_67 = arith.constant 0 : i32
    %dma_wait3A_68 = arith.constant 0 : i32
    %dma_wait3A_69 = tpu.memref_slice %arg3[%dma_wait3A_67, %dma_wait3A_68] : memref<8192x768xf32, #tpu.memory_space<hbm>> -> memref<8192x768xf32, #tpu.memory_space<hbm>>
    tpu.wait_indirect_dma semaphore(%arg9 : memref<!tpu.dma_semaphore, #tpu.memory_space<semaphore_mem>>) src(%dma_wait3A_69 : memref<8192x768xf32, #tpu.memory_space<hbm>>) dst(%arg7 : memref<64x768xf32, #tpu.memory_space<vmem>>)
    %add3A_70 = arith.constant 64 : i32
    %add3A_71 = arith.addi %mul3A_32, %add3A_70 : i32
    %dma_start3A_72 = arith.constant 0 : i32
    %dma_start3A_73 = tpu.memref_slice %arg4[%select_n3A, %add3A_71, %dma_start3A_72] : memref<4x8192x768xf32, #tpu.memory_space<hbm>> -> memref<1x64x768xf32, #tpu.memory_space<hbm>>
    %dma_start3A_74 = tpu.memref_squeeze %dma_start3A_73 : memref<1x64x768xf32, #tpu.memory_space<hbm>> -> memref<64x768xf32, #tpu.memory_space<hbm>>
    %dma_start3A_75 = arith.constant 0 : i32
    %dma_start3A_76 = tpu.memref_slice %arg4[%select_n3A, %add3A_71, %dma_start3A_75] : memref<4x8192x768xf32, #tpu.memory_space<hbm>> -> memref<1x64x768xf32, #tpu.memory_space<hbm>>
    %dma_start3A_77 = tpu.memref_squeeze %dma_start3A_76 : memref<1x64x768xf32, #tpu.memory_space<hbm>> -> memref<64x768xf32, #tpu.memory_space<hbm>>
    tpu.enqueue_dma source(%arg7 : memref<64x768xf32, #tpu.memory_space<vmem>>) target(%dma_start3A_77 : memref<64x768xf32, #tpu.memory_space<hbm>>) target_semaphore(%arg11 : memref<!tpu.dma_semaphore, #tpu.memory_space<semaphore_mem>>)
    %dma_wait3A_78 = arith.constant 0 : i32
    %dma_wait3A_79 = tpu.memref_slice %arg4[%select_n3A, %add3A_71, %dma_wait3A_78] : memref<4x8192x768xf32, #tpu.memory_space<hbm>> -> memref<1x64x768xf32, #tpu.memory_space<hbm>>
    %dma_wait3A_80 = tpu.memref_squeeze %dma_wait3A_79 : memref<1x64x768xf32, #tpu.memory_space<hbm>> -> memref<64x768xf32, #tpu.memory_space<hbm>>
    %dma_wait3A_81 = arith.constant 0 : i32
    %dma_wait3A_82 = tpu.memref_slice %arg4[%select_n3A, %add3A_71, %dma_wait3A_81] : memref<4x8192x768xf32, #tpu.memory_space<hbm>> -> memref<1x64x768xf32, #tpu.memory_space<hbm>>
    %dma_wait3A_83 = tpu.memref_squeeze %dma_wait3A_82 : memref<1x64x768xf32, #tpu.memory_space<hbm>> -> memref<64x768xf32, #tpu.memory_space<hbm>>
    tpu.wait_dma2 semaphore(%arg11 : memref<!tpu.dma_semaphore, #tpu.memory_space<semaphore_mem>>) src(%arg7 : memref<64x768xf32, #tpu.memory_space<vmem>>) dst(%dma_wait3A_83 : memref<64x768xf32, #tpu.memory_space<hbm>>)
    %dma_start3A_84 = arith.constant 192 : i32
    %dma_start3A_85 = tpu.memref_slice %arg5[%dma_start3A_84] : memref<1024xi32, #tpu.memory_space<vmem>> -> memref<64xi32, #tpu.memory_space<vmem>>
    %dma_start3A_86 = arith.constant 0 : i32
    %dma_start3A_87 = arith.constant 0 : i32
    %dma_start3A_88 = tpu.memref_slice %arg3[%dma_start3A_86, %dma_start3A_87] : memref<8192x768xf32, #tpu.memory_space<hbm>> -> memref<8192x768xf32, #tpu.memory_space<hbm>>
    tpu.enqueue_indirect_dma source(%dma_start3A_88 : memref<8192x768xf32, #tpu.memory_space<hbm>>) target(%arg7 : memref<64x768xf32, #tpu.memory_space<vmem>>) offsets(%dma_start3A_85 : memref<64xi32, #tpu.memory_space<vmem>>) semaphore(%arg9 : memref<!tpu.dma_semaphore, #tpu.memory_space<semaphore_mem>>)
    %dma_wait3A_89 = arith.constant 128 : i32
    %dma_wait3A_90 = tpu.memref_slice %arg5[%dma_wait3A_89] : memref<1024xi32, #tpu.memory_space<vmem>> -> memref<64xi32, #tpu.memory_space<vmem>>
    %dma_wait3A_91 = arith.constant 0 : i32
    %dma_wait3A_92 = arith.constant 0 : i32
    %dma_wait3A_93 = tpu.memref_slice %arg3[%dma_wait3A_91, %dma_wait3A_92] : memref<8192x768xf32, #tpu.memory_space<hbm>> -> memref<8192x768xf32, #tpu.memory_space<hbm>>
    tpu.wait_indirect_dma semaphore(%arg8 : memref<!tpu.dma_semaphore, #tpu.memory_space<semaphore_mem>>) src(%dma_wait3A_93 : memref<8192x768xf32, #tpu.memory_space<hbm>>) dst(%arg6 : memref<64x768xf32, #tpu.memory_space<vmem>>)
    %add3A_94 = arith.constant 128 : i32
    %add3A_95 = arith.addi %mul3A_32, %add3A_94 : i32
    %dma_start3A_96 = arith.constant 0 : i32
    %dma_start3A_97 = tpu.memref_slice %arg4[%select_n3A, %add3A_95, %dma_start3A_96] : memref<4x8192x768xf32, #tpu.memory_space<hbm>> -> memref<1x64x768xf32, #tpu.memory_space<hbm>>
    %dma_start3A_98 = tpu.memref_squeeze %dma_start3A_97 : memref<1x64x768xf32, #tpu.memory_space<hbm>> -> memref<64x768xf32, #tpu.memory_space<hbm>>
    %dma_start3A_99 = arith.constant 0 : i32
    %dma_start3A_100 = tpu.memref_slice %arg4[%select_n3A, %add3A_95, %dma_start3A_99] : memref<4x8192x768xf32, #tpu.memory_space<hbm>> -> memref<1x64x768xf32, #tpu.memory_space<hbm>>
    %dma_start3A_101 = tpu.memref_squeeze %dma_start3A_100 : memref<1x64x768xf32, #tpu.memory_space<hbm>> -> memref<64x768xf32, #tpu.memory_space<hbm>>
    tpu.enqueue_dma source(%arg6 : memref<64x768xf32, #tpu.memory_space<vmem>>) target(%dma_start3A_101 : memref<64x768xf32, #tpu.memory_space<hbm>>) target_semaphore(%arg10 : memref<!tpu.dma_semaphore, #tpu.memory_space<semaphore_mem>>)
    %dma_wait3A_102 = arith.constant 0 : i32
    %dma_wait3A_103 = tpu.memref_slice %arg4[%select_n3A, %add3A_95, %dma_wait3A_102] : memref<4x8192x768xf32, #tpu.memory_space<hbm>> -> memref<1x64x768xf32, #tpu.memory_space<hbm>>
    %dma_wait3A_104 = tpu.memref_squeeze %dma_wait3A_103 : memref<1x64x768xf32, #tpu.memory_space<hbm>> -> memref<64x768xf32, #tpu.memory_space<hbm>>
    %dma_wait3A_105 = arith.constant 0 : i32
    %dma_wait3A_106 = tpu.memref_slice %arg4[%select_n3A, %add3A_95, %dma_wait3A_105] : memref<4x8192x768xf32, #tpu.memory_space<hbm>> -> memref<1x64x768xf32, #tpu.memory_space<hbm>>
    %dma_wait3A_107 = tpu.memref_squeeze %dma_wait3A_106 : memref<1x64x768xf32, #tpu.memory_space<hbm>> -> memref<64x768xf32, #tpu.memory_space<hbm>>
    tpu.wait_dma2 semaphore(%arg10 : memref<!tpu.dma_semaphore, #tpu.memory_space<semaphore_mem>>) src(%arg6 : memref<64x768xf32, #tpu.memory_space<vmem>>) dst(%dma_wait3A_107 : memref<64x768xf32, #tpu.memory_space<hbm>>)
    %dma_start3A_108 = arith.constant 256 : i32
    %dma_start3A_109 = tpu.memref_slice %arg5[%dma_start3A_108] : memref<1024xi32, #tpu.memory_space<vmem>> -> memref<64xi32, #tpu.memory_space<vmem>>
    %dma_start3A_110 = arith.constant 0 : i32
    %dma_start3A_111 = arith.constant 0 : i32
    %dma_start3A_112 = tpu.memref_slice %arg3[%dma_start3A_110, %dma_start3A_111] : memref<8192x768xf32, #tpu.memory_space<hbm>> -> memref<8192x768xf32, #tpu.memory_space<hbm>>
    tpu.enqueue_indirect_dma source(%dma_start3A_112 : memref<8192x768xf32, #tpu.memory_space<hbm>>) target(%arg6 : memref<64x768xf32, #tpu.memory_space<vmem>>) offsets(%dma_start3A_109 : memref<64xi32, #tpu.memory_space<vmem>>) semaphore(%arg8 : memref<!tpu.dma_semaphore, #tpu.memory_space<semaphore_mem>>)
    %dma_wait3A_113 = arith.constant 192 : i32
    %dma_wait3A_114 = tpu.memref_slice %arg5[%dma_wait3A_113] : memref<1024xi32, #tpu.memory_space<vmem>> -> memref<64xi32, #tpu.memory_space<vmem>>
    %dma_wait3A_115 = arith.constant 0 : i32
    %dma_wait3A_116 = arith.constant 0 : i32
    %dma_wait3A_117 = tpu.memref_slice %arg3[%dma_wait3A_115, %dma_wait3A_116] : memref<8192x768xf32, #tpu.memory_space<hbm>> -> memref<8192x768xf32, #tpu.memory_space<hbm>>
    tpu.wait_indirect_dma semaphore(%arg9 : memref<!tpu.dma_semaphore, #tpu.memory_space<semaphore_mem>>) src(%dma_wait3A_117 : memref<8192x768xf32, #tpu.memory_space<hbm>>) dst(%arg7 : memref<64x768xf32, #tpu.memory_space<vmem>>)
    %add3A_118 = arith.constant 192 : i32
    %add3A_119 = arith.addi %mul3A_32, %add3A_118 : i32
    %dma_start3A_120 = arith.constant 0 : i32
    %dma_start3A_121 = tpu.memref_slice %arg4[%select_n3A, %add3A_119, %dma_start3A_120] : memref<4x8192x768xf32, #tpu.memory_space<hbm>> -> memref<1x64x768xf32, #tpu.memory_space<hbm>>
    %dma_start3A_122 = tpu.memref_squeeze %dma_start3A_121 : memref<1x64x768xf32, #tpu.memory_space<hbm>> -> memref<64x768xf32, #tpu.memory_space<hbm>>
    %dma_start3A_123 = arith.constant 0 : i32
    %dma_start3A_124 = tpu.memref_slice %arg4[%select_n3A, %add3A_119, %dma_start3A_123] : memref<4x8192x768xf32, #tpu.memory_space<hbm>> -> memref<1x64x768xf32, #tpu.memory_space<hbm>>
    %dma_start3A_125 = tpu.memref_squeeze %dma_start3A_124 : memref<1x64x768xf32, #tpu.memory_space<hbm>> -> memref<64x768xf32, #tpu.memory_space<hbm>>
    tpu.enqueue_dma source(%arg7 : memref<64x768xf32, #tpu.memory_space<vmem>>) target(%dma_start3A_125 : memref<64x768xf32, #tpu.memory_space<hbm>>) target_semaphore(%arg11 : memref<!tpu.dma_semaphore, #tpu.memory_space<semaphore_mem>>)
    %dma_wait3A_126 = arith.constant 0 : i32
    %dma_wait3A_127 = tpu.memref_slice %arg4[%select_n3A, %add3A_119, %dma_wait3A_126] : memref<4x8192x768xf32, #tpu.memory_space<hbm>> -> memref<1x64x768xf32, #tpu.memory_space<hbm>>
    %dma_wait3A_128 = tpu.memref_squeeze %dma_wait3A_127 : memref<1x64x768xf32, #tpu.memory_space<hbm>> -> memref<64x768xf32, #tpu.memory_space<hbm>>
    %dma_wait3A_129 = arith.constant 0 : i32
    %dma_wait3A_130 = tpu.memref_slice %arg4[%select_n3A, %add3A_119, %dma_wait3A_129] : memref<4x8192x768xf32, #tpu.memory_space<hbm>> -> memref<1x64x768xf32, #tpu.memory_space<hbm>>
    %dma_wait3A_131 = tpu.memref_squeeze %dma_wait3A_130 : memref<1x64x768xf32, #tpu.memory_space<hbm>> -> memref<64x768xf32, #tpu.memory_space<hbm>>
    tpu.wait_dma2 semaphore(%arg11 : memref<!tpu.dma_semaphore, #tpu.memory_space<semaphore_mem>>) src(%arg7 : memref<64x768xf32, #tpu.memory_space<vmem>>) dst(%dma_wait3A_131 : memref<64x768xf32, #tpu.memory_space<hbm>>)
    %dma_start3A_132 = arith.constant 320 : i32
    %dma_start3A_133 = tpu.memref_slice %arg5[%dma_start3A_132] : memref<1024xi32, #tpu.memory_space<vmem>> -> memref<64xi32, #tpu.memory_space<vmem>>
    %dma_start3A_134 = arith.constant 0 : i32
    %dma_start3A_135 = arith.constant 0 : i32
    %dma_start3A_136 = tpu.memref_slice %arg3[%dma_start3A_134, %dma_start3A_135] : memref<8192x768xf32, #tpu.memory_space<hbm>> -> memref<8192x768xf32, #tpu.memory_space<hbm>>
    tpu.enqueue_indirect_dma source(%dma_start3A_136 : memref<8192x768xf32, #tpu.memory_space<hbm>>) target(%arg7 : memref<64x768xf32, #tpu.memory_space<vmem>>) offsets(%dma_start3A_133 : memref<64xi32, #tpu.memory_space<vmem>>) semaphore(%arg9 : memref<!tpu.dma_semaphore, #tpu.memory_space<semaphore_mem>>)
    %dma_wait3A_137 = arith.constant 256 : i32
    %dma_wait3A_138 = tpu.memref_slice %arg5[%dma_wait3A_137] : memref<1024xi32, #tpu.memory_space<vmem>> -> memref<64xi32, #tpu.memory_space<vmem>>
    %dma_wait3A_139 = arith.constant 0 : i32
    %dma_wait3A_140 = arith.constant 0 : i32
    %dma_wait3A_141 = tpu.memref_slice %arg3[%dma_wait3A_139, %dma_wait3A_140] : memref<8192x768xf32, #tpu.memory_space<hbm>> -> memref<8192x768xf32, #tpu.memory_space<hbm>>
    tpu.wait_indirect_dma semaphore(%arg8 : memref<!tpu.dma_semaphore, #tpu.memory_space<semaphore_mem>>) src(%dma_wait3A_141 : memref<8192x768xf32, #tpu.memory_space<hbm>>) dst(%arg6 : memref<64x768xf32, #tpu.memory_space<vmem>>)
    %add3A_142 = arith.constant 256 : i32
    %add3A_143 = arith.addi %mul3A_32, %add3A_142 : i32
    %dma_start3A_144 = arith.constant 0 : i32
    %dma_start3A_145 = tpu.memref_slice %arg4[%select_n3A, %add3A_143, %dma_start3A_144] : memref<4x8192x768xf32, #tpu.memory_space<hbm>> -> memref<1x64x768xf32, #tpu.memory_space<hbm>>
    %dma_start3A_146 = tpu.memref_squeeze %dma_start3A_145 : memref<1x64x768xf32, #tpu.memory_space<hbm>> -> memref<64x768xf32, #tpu.memory_space<hbm>>
    %dma_start3A_147 = arith.constant 0 : i32
    %dma_start3A_148 = tpu.memref_slice %arg4[%select_n3A, %add3A_143, %dma_start3A_147] : memref<4x8192x768xf32, #tpu.memory_space<hbm>> -> memref<1x64x768xf32, #tpu.memory_space<hbm>>
    %dma_start3A_149 = tpu.memref_squeeze %dma_start3A_148 : memref<1x64x768xf32, #tpu.memory_space<hbm>> -> memref<64x768xf32, #tpu.memory_space<hbm>>
    tpu.enqueue_dma source(%arg6 : memref<64x768xf32, #tpu.memory_space<vmem>>) target(%dma_start3A_149 : memref<64x768xf32, #tpu.memory_space<hbm>>) target_semaphore(%arg10 : memref<!tpu.dma_semaphore, #tpu.memory_space<semaphore_mem>>)
    %dma_wait3A_150 = arith.constant 0 : i32
    %dma_wait3A_151 = tpu.memref_slice %arg4[%select_n3A, %add3A_143, %dma_wait3A_150] : memref<4x8192x768xf32, #tpu.memory_space<hbm>> -> memref<1x64x768xf32, #tpu.memory_space<hbm>>
    %dma_wait3A_152 = tpu.memref_squeeze %dma_wait3A_151 : memref<1x64x768xf32, #tpu.memory_space<hbm>> -> memref<64x768xf32, #tpu.memory_space<hbm>>
    %dma_wait3A_153 = arith.constant 0 : i32
    %dma_wait3A_154 = tpu.memref_slice %arg4[%select_n3A, %add3A_143, %dma_wait3A_153] : memref<4x8192x768xf32, #tpu.memory_space<hbm>> -> memref<1x64x768xf32, #tpu.memory_space<hbm>>
    %dma_wait3A_155 = tpu.memref_squeeze %dma_wait3A_154 : memref<1x64x768xf32, #tpu.memory_space<hbm>> -> memref<64x768xf32, #tpu.memory_space<hbm>>
    tpu.wait_dma2 semaphore(%arg10 : memref<!tpu.dma_semaphore, #tpu.memory_space<semaphore_mem>>) src(%arg6 : memref<64x768xf32, #tpu.memory_space<vmem>>) dst(%dma_wait3A_155 : memref<64x768xf32, #tpu.memory_space<hbm>>)
    %dma_start3A_156 = arith.constant 384 : i32
    %dma_start3A_157 = tpu.memref_slice %arg5[%dma_start3A_156] : memref<1024xi32, #tpu.memory_space<vmem>> -> memref<64xi32, #tpu.memory_space<vmem>>
    %dma_start3A_158 = arith.constant 0 : i32
    %dma_start3A_159 = arith.constant 0 : i32
    %dma_start3A_160 = tpu.memref_slice %arg3[%dma_start3A_158, %dma_start3A_159] : memref<8192x768xf32, #tpu.memory_space<hbm>> -> memref<8192x768xf32, #tpu.memory_space<hbm>>
    tpu.enqueue_indirect_dma source(%dma_start3A_160 : memref<8192x768xf32, #tpu.memory_space<hbm>>) target(%arg6 : memref<64x768xf32, #tpu.memory_space<vmem>>) offsets(%dma_start3A_157 : memref<64xi32, #tpu.memory_space<vmem>>) semaphore(%arg8 : memref<!tpu.dma_semaphore, #tpu.memory_space<semaphore_mem>>)
    %dma_wait3A_161 = arith.constant 320 : i32
    %dma_wait3A_162 = tpu.memref_slice %arg5[%dma_wait3A_161] : memref<1024xi32, #tpu.memory_space<vmem>> -> memref<64xi32, #tpu.memory_space<vmem>>
    %dma_wait3A_163 = arith.constant 0 : i32
    %dma_wait3A_164 = arith.constant 0 : i32
    %dma_wait3A_165 = tpu.memref_slice %arg3[%dma_wait3A_163, %dma_wait3A_164] : memref<8192x768xf32, #tpu.memory_space<hbm>> -> memref<8192x768xf32, #tpu.memory_space<hbm>>
    tpu.wait_indirect_dma semaphore(%arg9 : memref<!tpu.dma_semaphore, #tpu.memory_space<semaphore_mem>>) src(%dma_wait3A_165 : memref<8192x768xf32, #tpu.memory_space<hbm>>) dst(%arg7 : memref<64x768xf32, #tpu.memory_space<vmem>>)
    %add3A_166 = arith.constant 320 : i32
    %add3A_167 = arith.addi %mul3A_32, %add3A_166 : i32
    %dma_start3A_168 = arith.constant 0 : i32
    %dma_start3A_169 = tpu.memref_slice %arg4[%select_n3A, %add3A_167, %dma_start3A_168] : memref<4x8192x768xf32, #tpu.memory_space<hbm>> -> memref<1x64x768xf32, #tpu.memory_space<hbm>>
    %dma_start3A_170 = tpu.memref_squeeze %dma_start3A_169 : memref<1x64x768xf32, #tpu.memory_space<hbm>> -> memref<64x768xf32, #tpu.memory_space<hbm>>
    %dma_start3A_171 = arith.constant 0 : i32
    %dma_start3A_172 = tpu.memref_slice %arg4[%select_n3A, %add3A_167, %dma_start3A_171] : memref<4x8192x768xf32, #tpu.memory_space<hbm>> -> memref<1x64x768xf32, #tpu.memory_space<hbm>>
    %dma_start3A_173 = tpu.memref_squeeze %dma_start3A_172 : memref<1x64x768xf32, #tpu.memory_space<hbm>> -> memref<64x768xf32, #tpu.memory_space<hbm>>
    tpu.enqueue_dma source(%arg7 : memref<64x768xf32, #tpu.memory_space<vmem>>) target(%dma_start3A_173 : memref<64x768xf32, #tpu.memory_space<hbm>>) target_semaphore(%arg11 : memref<!tpu.dma_semaphore, #tpu.memory_space<semaphore_mem>>)
    %dma_wait3A_174 = arith.constant 0 : i32
    %dma_wait3A_175 = tpu.memref_slice %arg4[%select_n3A, %add3A_167, %dma_wait3A_174] : memref<4x8192x768xf32, #tpu.memory_space<hbm>> -> memref<1x64x768xf32, #tpu.memory_space<hbm>>
    %dma_wait3A_176 = tpu.memref_squeeze %dma_wait3A_175 : memref<1x64x768xf32, #tpu.memory_space<hbm>> -> memref<64x768xf32, #tpu.memory_space<hbm>>
    %dma_wait3A_177 = arith.constant 0 : i32
    %dma_wait3A_178 = tpu.memref_slice %arg4[%select_n3A, %add3A_167, %dma_wait3A_177] : memref<4x8192x768xf32, #tpu.memory_space<hbm>> -> memref<1x64x768xf32, #tpu.memory_space<hbm>>
    %dma_wait3A_179 = tpu.memref_squeeze %dma_wait3A_178 : memref<1x64x768xf32, #tpu.memory_space<hbm>> -> memref<64x768xf32, #tpu.memory_space<hbm>>
    tpu.wait_dma2 semaphore(%arg11 : memref<!tpu.dma_semaphore, #tpu.memory_space<semaphore_mem>>) src(%arg7 : memref<64x768xf32, #tpu.memory_space<vmem>>) dst(%dma_wait3A_179 : memref<64x768xf32, #tpu.memory_space<hbm>>)
    %dma_start3A_180 = arith.constant 448 : i32
    %dma_start3A_181 = tpu.memref_slice %arg5[%dma_start3A_180] : memref<1024xi32, #tpu.memory_space<vmem>> -> memref<64xi32, #tpu.memory_space<vmem>>
    %dma_start3A_182 = arith.constant 0 : i32
    %dma_start3A_183 = arith.constant 0 : i32
    %dma_start3A_184 = tpu.memref_slice %arg3[%dma_start3A_182, %dma_start3A_183] : memref<8192x768xf32, #tpu.memory_space<hbm>> -> memref<8192x768xf32, #tpu.memory_space<hbm>>
    tpu.enqueue_indirect_dma source(%dma_start3A_184 : memref<8192x768xf32, #tpu.memory_space<hbm>>) target(%arg7 : memref<64x768xf32, #tpu.memory_space<vmem>>) offsets(%dma_start3A_181 : memref<64xi32, #tpu.memory_space<vmem>>) semaphore(%arg9 : memref<!tpu.dma_semaphore, #tpu.memory_space<semaphore_mem>>)
    %dma_wait3A_185 = arith.constant 384 : i32
    %dma_wait3A_186 = tpu.memref_slice %arg5[%dma_wait3A_185] : memref<1024xi32, #tpu.memory_space<vmem>> -> memref<64xi32, #tpu.memory_space<vmem>>
    %dma_wait3A_187 = arith.constant 0 : i32
    %dma_wait3A_188 = arith.constant 0 : i32
    %dma_wait3A_189 = tpu.memref_slice %arg3[%dma_wait3A_187, %dma_wait3A_188] : memref<8192x768xf32, #tpu.memory_space<hbm>> -> memref<8192x768xf32, #tpu.memory_space<hbm>>
    tpu.wait_indirect_dma semaphore(%arg8 : memref<!tpu.dma_semaphore, #tpu.memory_space<semaphore_mem>>) src(%dma_wait3A_189 : memref<8192x768xf32, #tpu.memory_space<hbm>>) dst(%arg6 : memref<64x768xf32, #tpu.memory_space<vmem>>)
    %add3A_190 = arith.constant 384 : i32
    %add3A_191 = arith.addi %mul3A_32, %add3A_190 : i32
    %dma_start3A_192 = arith.constant 0 : i32
    %dma_start3A_193 = tpu.memref_slice %arg4[%select_n3A, %add3A_191, %dma_start3A_192] : memref<4x8192x768xf32, #tpu.memory_space<hbm>> -> memref<1x64x768xf32, #tpu.memory_space<hbm>>
    %dma_start3A_194 = tpu.memref_squeeze %dma_start3A_193 : memref<1x64x768xf32, #tpu.memory_space<hbm>> -> memref<64x768xf32, #tpu.memory_space<hbm>>
    %dma_start3A_195 = arith.constant 0 : i32
    %dma_start3A_196 = tpu.memref_slice %arg4[%select_n3A, %add3A_191, %dma_start3A_195] : memref<4x8192x768xf32, #tpu.memory_space<hbm>> -> memref<1x64x768xf32, #tpu.memory_space<hbm>>
    %dma_start3A_197 = tpu.memref_squeeze %dma_start3A_196 : memref<1x64x768xf32, #tpu.memory_space<hbm>> -> memref<64x768xf32, #tpu.memory_space<hbm>>
    tpu.enqueue_dma source(%arg6 : memref<64x768xf32, #tpu.memory_space<vmem>>) target(%dma_start3A_197 : memref<64x768xf32, #tpu.memory_space<hbm>>) target_semaphore(%arg10 : memref<!tpu.dma_semaphore, #tpu.memory_space<semaphore_mem>>)
    %dma_wait3A_198 = arith.constant 0 : i32
    %dma_wait3A_199 = tpu.memref_slice %arg4[%select_n3A, %add3A_191, %dma_wait3A_198] : memref<4x8192x768xf32, #tpu.memory_space<hbm>> -> memref<1x64x768xf32, #tpu.memory_space<hbm>>
    %dma_wait3A_200 = tpu.memref_squeeze %dma_wait3A_199 : memref<1x64x768xf32, #tpu.memory_space<hbm>> -> memref<64x768xf32, #tpu.memory_space<hbm>>
    %dma_wait3A_201 = arith.constant 0 : i32
    %dma_wait3A_202 = tpu.memref_slice %arg4[%select_n3A, %add3A_191, %dma_wait3A_201] : memref<4x8192x768xf32, #tpu.memory_space<hbm>> -> memref<1x64x768xf32, #tpu.memory_space<hbm>>
    %dma_wait3A_203 = tpu.memref_squeeze %dma_wait3A_202 : memref<1x64x768xf32, #tpu.memory_space<hbm>> -> memref<64x768xf32, #tpu.memory_space<hbm>>
    tpu.wait_dma2 semaphore(%arg10 : memref<!tpu.dma_semaphore, #tpu.memory_space<semaphore_mem>>) src(%arg6 : memref<64x768xf32, #tpu.memory_space<vmem>>) dst(%dma_wait3A_203 : memref<64x768xf32, #tpu.memory_space<hbm>>)
    %dma_start3A_204 = arith.constant 512 : i32
    %dma_start3A_205 = tpu.memref_slice %arg5[%dma_start3A_204] : memref<1024xi32, #tpu.memory_space<vmem>> -> memref<64xi32, #tpu.memory_space<vmem>>
    %dma_start3A_206 = arith.constant 0 : i32
    %dma_start3A_207 = arith.constant 0 : i32
    %dma_start3A_208 = tpu.memref_slice %arg3[%dma_start3A_206, %dma_start3A_207] : memref<8192x768xf32, #tpu.memory_space<hbm>> -> memref<8192x768xf32, #tpu.memory_space<hbm>>
    tpu.enqueue_indirect_dma source(%dma_start3A_208 : memref<8192x768xf32, #tpu.memory_space<hbm>>) target(%arg6 : memref<64x768xf32, #tpu.memory_space<vmem>>) offsets(%dma_start3A_205 : memref<64xi32, #tpu.memory_space<vmem>>) semaphore(%arg8 : memref<!tpu.dma_semaphore, #tpu.memory_space<semaphore_mem>>)
    %dma_wait3A_209 = arith.constant 448 : i32
    %dma_wait3A_210 = tpu.memref_slice %arg5[%dma_wait3A_209] : memref<1024xi32, #tpu.memory_space<vmem>> -> memref<64xi32, #tpu.memory_space<vmem>>
    %dma_wait3A_211 = arith.constant 0 : i32
    %dma_wait3A_212 = arith.constant 0 : i32
    %dma_wait3A_213 = tpu.memref_slice %arg3[%dma_wait3A_211, %dma_wait3A_212] : memref<8192x768xf32, #tpu.memory_space<hbm>> -> memref<8192x768xf32, #tpu.memory_space<hbm>>
    tpu.wait_indirect_dma semaphore(%arg9 : memref<!tpu.dma_semaphore, #tpu.memory_space<semaphore_mem>>) src(%dma_wait3A_213 : memref<8192x768xf32, #tpu.memory_space<hbm>>) dst(%arg7 : memref<64x768xf32, #tpu.memory_space<vmem>>)
    %add3A_214 = arith.constant 448 : i32
    %add3A_215 = arith.addi %mul3A_32, %add3A_214 : i32
    %dma_start3A_216 = arith.constant 0 : i32
    %dma_start3A_217 = tpu.memref_slice %arg4[%select_n3A, %add3A_215, %dma_start3A_216] : memref<4x8192x768xf32, #tpu.memory_space<hbm>> -> memref<1x64x768xf32, #tpu.memory_space<hbm>>
    %dma_start3A_218 = tpu.memref_squeeze %dma_start3A_217 : memref<1x64x768xf32, #tpu.memory_space<hbm>> -> memref<64x768xf32, #tpu.memory_space<hbm>>
    %dma_start3A_219 = arith.constant 0 : i32
    %dma_start3A_220 = tpu.memref_slice %arg4[%select_n3A, %add3A_215, %dma_start3A_219] : memref<4x8192x768xf32, #tpu.memory_space<hbm>> -> memref<1x64x768xf32, #tpu.memory_space<hbm>>
    %dma_start3A_221 = tpu.memref_squeeze %dma_start3A_220 : memref<1x64x768xf32, #tpu.memory_space<hbm>> -> memref<64x768xf32, #tpu.memory_space<hbm>>
    tpu.enqueue_dma source(%arg7 : memref<64x768xf32, #tpu.memory_space<vmem>>) target(%dma_start3A_221 : memref<64x768xf32, #tpu.memory_space<hbm>>) target_semaphore(%arg11 : memref<!tpu.dma_semaphore, #tpu.memory_space<semaphore_mem>>)
    %dma_wait3A_222 = arith.constant 0 : i32
    %dma_wait3A_223 = tpu.memref_slice %arg4[%select_n3A, %add3A_215, %dma_wait3A_222] : memref<4x8192x768xf32, #tpu.memory_space<hbm>> -> memref<1x64x768xf32, #tpu.memory_space<hbm>>
    %dma_wait3A_224 = tpu.memref_squeeze %dma_wait3A_223 : memref<1x64x768xf32, #tpu.memory_space<hbm>> -> memref<64x768xf32, #tpu.memory_space<hbm>>
    %dma_wait3A_225 = arith.constant 0 : i32
    %dma_wait3A_226 = tpu.memref_slice %arg4[%select_n3A, %add3A_215, %dma_wait3A_225] : memref<4x8192x768xf32, #tpu.memory_space<hbm>> -> memref<1x64x768xf32, #tpu.memory_space<hbm>>
    %dma_wait3A_227 = tpu.memref_squeeze %dma_wait3A_226 : memref<1x64x768xf32, #tpu.memory_space<hbm>> -> memref<64x768xf32, #tpu.memory_space<hbm>>
    tpu.wait_dma2 semaphore(%arg11 : memref<!tpu.dma_semaphore, #tpu.memory_space<semaphore_mem>>) src(%arg7 : memref<64x768xf32, #tpu.memory_space<vmem>>) dst(%dma_wait3A_227 : memref<64x768xf32, #tpu.memory_space<hbm>>)
    %dma_start3A_228 = arith.constant 576 : i32
    %dma_start3A_229 = tpu.memref_slice %arg5[%dma_start3A_228] : memref<1024xi32, #tpu.memory_space<vmem>> -> memref<64xi32, #tpu.memory_space<vmem>>
    %dma_start3A_230 = arith.constant 0 : i32
    %dma_start3A_231 = arith.constant 0 : i32
    %dma_start3A_232 = tpu.memref_slice %arg3[%dma_start3A_230, %dma_start3A_231] : memref<8192x768xf32, #tpu.memory_space<hbm>> -> memref<8192x768xf32, #tpu.memory_space<hbm>>
    tpu.enqueue_indirect_dma source(%dma_start3A_232 : memref<8192x768xf32, #tpu.memory_space<hbm>>) target(%arg7 : memref<64x768xf32, #tpu.memory_space<vmem>>) offsets(%dma_start3A_229 : memref<64xi32, #tpu.memory_space<vmem>>) semaphore(%arg9 : memref<!tpu.dma_semaphore, #tpu.memory_space<semaphore_mem>>)
    %dma_wait3A_233 = arith.constant 512 : i32
    %dma_wait3A_234 = tpu.memref_slice %arg5[%dma_wait3A_233] : memref<1024xi32, #tpu.memory_space<vmem>> -> memref<64xi32, #tpu.memory_space<vmem>>
    %dma_wait3A_235 = arith.constant 0 : i32
    %dma_wait3A_236 = arith.constant 0 : i32
    %dma_wait3A_237 = tpu.memref_slice %arg3[%dma_wait3A_235, %dma_wait3A_236] : memref<8192x768xf32, #tpu.memory_space<hbm>> -> memref<8192x768xf32, #tpu.memory_space<hbm>>
    tpu.wait_indirect_dma semaphore(%arg8 : memref<!tpu.dma_semaphore, #tpu.memory_space<semaphore_mem>>) src(%dma_wait3A_237 : memref<8192x768xf32, #tpu.memory_space<hbm>>) dst(%arg6 : memref<64x768xf32, #tpu.memory_space<vmem>>)
    %add3A_238 = arith.constant 512 : i32
    %add3A_239 = arith.addi %mul3A_32, %add3A_238 : i32
    %dma_start3A_240 = arith.constant 0 : i32
    %dma_start3A_241 = tpu.memref_slice %arg4[%select_n3A, %add3A_239, %dma_start3A_240] : memref<4x8192x768xf32, #tpu.memory_space<hbm>> -> memref<1x64x768xf32, #tpu.memory_space<hbm>>
    %dma_start3A_242 = tpu.memref_squeeze %dma_start3A_241 : memref<1x64x768xf32, #tpu.memory_space<hbm>> -> memref<64x768xf32, #tpu.memory_space<hbm>>
    %dma_start3A_243 = arith.constant 0 : i32
    %dma_start3A_244 = tpu.memref_slice %arg4[%select_n3A, %add3A_239, %dma_start3A_243] : memref<4x8192x768xf32, #tpu.memory_space<hbm>> -> memref<1x64x768xf32, #tpu.memory_space<hbm>>
    %dma_start3A_245 = tpu.memref_squeeze %dma_start3A_244 : memref<1x64x768xf32, #tpu.memory_space<hbm>> -> memref<64x768xf32, #tpu.memory_space<hbm>>
    tpu.enqueue_dma source(%arg6 : memref<64x768xf32, #tpu.memory_space<vmem>>) target(%dma_start3A_245 : memref<64x768xf32, #tpu.memory_space<hbm>>) target_semaphore(%arg10 : memref<!tpu.dma_semaphore, #tpu.memory_space<semaphore_mem>>)
    %dma_wait3A_246 = arith.constant 0 : i32
    %dma_wait3A_247 = tpu.memref_slice %arg4[%select_n3A, %add3A_239, %dma_wait3A_246] : memref<4x8192x768xf32, #tpu.memory_space<hbm>> -> memref<1x64x768xf32, #tpu.memory_space<hbm>>
    %dma_wait3A_248 = tpu.memref_squeeze %dma_wait3A_247 : memref<1x64x768xf32, #tpu.memory_space<hbm>> -> memref<64x768xf32, #tpu.memory_space<hbm>>
    %dma_wait3A_249 = arith.constant 0 : i32
    %dma_wait3A_250 = tpu.memref_slice %arg4[%select_n3A, %add3A_239, %dma_wait3A_249] : memref<4x8192x768xf32, #tpu.memory_space<hbm>> -> memref<1x64x768xf32, #tpu.memory_space<hbm>>
    %dma_wait3A_251 = tpu.memref_squeeze %dma_wait3A_250 : memref<1x64x768xf32, #tpu.memory_space<hbm>> -> memref<64x768xf32, #tpu.memory_space<hbm>>
    tpu.wait_dma2 semaphore(%arg10 : memref<!tpu.dma_semaphore, #tpu.memory_space<semaphore_mem>>) src(%arg6 : memref<64x768xf32, #tpu.memory_space<vmem>>) dst(%dma_wait3A_251 : memref<64x768xf32, #tpu.memory_space<hbm>>)
    %dma_start3A_252 = arith.constant 640 : i32
    %dma_start3A_253 = tpu.memref_slice %arg5[%dma_start3A_252] : memref<1024xi32, #tpu.memory_space<vmem>> -> memref<64xi32, #tpu.memory_space<vmem>>
    %dma_start3A_254 = arith.constant 0 : i32
    %dma_start3A_255 = arith.constant 0 : i32
    %dma_start3A_256 = tpu.memref_slice %arg3[%dma_start3A_254, %dma_start3A_255] : memref<8192x768xf32, #tpu.memory_space<hbm>> -> memref<8192x768xf32, #tpu.memory_space<hbm>>
    tpu.enqueue_indirect_dma source(%dma_start3A_256 : memref<8192x768xf32, #tpu.memory_space<hbm>>) target(%arg6 : memref<64x768xf32, #tpu.memory_space<vmem>>) offsets(%dma_start3A_253 : memref<64xi32, #tpu.memory_space<vmem>>) semaphore(%arg8 : memref<!tpu.dma_semaphore, #tpu.memory_space<semaphore_mem>>)
    %dma_wait3A_257 = arith.constant 576 : i32
    %dma_wait3A_258 = tpu.memref_slice %arg5[%dma_wait3A_257] : memref<1024xi32, #tpu.memory_space<vmem>> -> memref<64xi32, #tpu.memory_space<vmem>>
    %dma_wait3A_259 = arith.constant 0 : i32
    %dma_wait3A_260 = arith.constant 0 : i32
    %dma_wait3A_261 = tpu.memref_slice %arg3[%dma_wait3A_259, %dma_wait3A_260] : memref<8192x768xf32, #tpu.memory_space<hbm>> -> memref<8192x768xf32, #tpu.memory_space<hbm>>
    tpu.wait_indirect_dma semaphore(%arg9 : memref<!tpu.dma_semaphore, #tpu.memory_space<semaphore_mem>>) src(%dma_wait3A_261 : memref<8192x768xf32, #tpu.memory_space<hbm>>) dst(%arg7 : memref<64x768xf32, #tpu.memory_space<vmem>>)
    %add3A_262 = arith.constant 576 : i32
    %add3A_263 = arith.addi %mul3A_32, %add3A_262 : i32
    %dma_start3A_264 = arith.constant 0 : i32
    %dma_start3A_265 = tpu.memref_slice %arg4[%select_n3A, %add3A_263, %dma_start3A_264] : memref<4x8192x768xf32, #tpu.memory_space<hbm>> -> memref<1x64x768xf32, #tpu.memory_space<hbm>>
    %dma_start3A_266 = tpu.memref_squeeze %dma_start3A_265 : memref<1x64x768xf32, #tpu.memory_space<hbm>> -> memref<64x768xf32, #tpu.memory_space<hbm>>
    %dma_start3A_267 = arith.constant 0 : i32
    %dma_start3A_268 = tpu.memref_slice %arg4[%select_n3A, %add3A_263, %dma_start3A_267] : memref<4x8192x768xf32, #tpu.memory_space<hbm>> -> memref<1x64x768xf32, #tpu.memory_space<hbm>>
    %dma_start3A_269 = tpu.memref_squeeze %dma_start3A_268 : memref<1x64x768xf32, #tpu.memory_space<hbm>> -> memref<64x768xf32, #tpu.memory_space<hbm>>
    tpu.enqueue_dma source(%arg7 : memref<64x768xf32, #tpu.memory_space<vmem>>) target(%dma_start3A_269 : memref<64x768xf32, #tpu.memory_space<hbm>>) target_semaphore(%arg11 : memref<!tpu.dma_semaphore, #tpu.memory_space<semaphore_mem>>)
    %dma_wait3A_270 = arith.constant 0 : i32
    %dma_wait3A_271 = tpu.memref_slice %arg4[%select_n3A, %add3A_263, %dma_wait3A_270] : memref<4x8192x768xf32, #tpu.memory_space<hbm>> -> memref<1x64x768xf32, #tpu.memory_space<hbm>>
    %dma_wait3A_272 = tpu.memref_squeeze %dma_wait3A_271 : memref<1x64x768xf32, #tpu.memory_space<hbm>> -> memref<64x768xf32, #tpu.memory_space<hbm>>
    %dma_wait3A_273 = arith.constant 0 : i32
    %dma_wait3A_274 = tpu.memref_slice %arg4[%select_n3A, %add3A_263, %dma_wait3A_273] : memref<4x8192x768xf32, #tpu.memory_space<hbm>> -> memref<1x64x768xf32, #tpu.memory_space<hbm>>
    %dma_wait3A_275 = tpu.memref_squeeze %dma_wait3A_274 : memref<1x64x768xf32, #tpu.memory_space<hbm>> -> memref<64x768xf32, #tpu.memory_space<hbm>>
    tpu.wait_dma2 semaphore(%arg11 : memref<!tpu.dma_semaphore, #tpu.memory_space<semaphore_mem>>) src(%arg7 : memref<64x768xf32, #tpu.memory_space<vmem>>) dst(%dma_wait3A_275 : memref<64x768xf32, #tpu.memory_space<hbm>>)
    %dma_start3A_276 = arith.constant 704 : i32
    %dma_start3A_277 = tpu.memref_slice %arg5[%dma_start3A_276] : memref<1024xi32, #tpu.memory_space<vmem>> -> memref<64xi32, #tpu.memory_space<vmem>>
    %dma_start3A_278 = arith.constant 0 : i32
    %dma_start3A_279 = arith.constant 0 : i32
    %dma_start3A_280 = tpu.memref_slice %arg3[%dma_start3A_278, %dma_start3A_279] : memref<8192x768xf32, #tpu.memory_space<hbm>> -> memref<8192x768xf32, #tpu.memory_space<hbm>>
    tpu.enqueue_indirect_dma source(%dma_start3A_280 : memref<8192x768xf32, #tpu.memory_space<hbm>>) target(%arg7 : memref<64x768xf32, #tpu.memory_space<vmem>>) offsets(%dma_start3A_277 : memref<64xi32, #tpu.memory_space<vmem>>) semaphore(%arg9 : memref<!tpu.dma_semaphore, #tpu.memory_space<semaphore_mem>>)
    %dma_wait3A_281 = arith.constant 640 : i32
    %dma_wait3A_282 = tpu.memref_slice %arg5[%dma_wait3A_281] : memref<1024xi32, #tpu.memory_space<vmem>> -> memref<64xi32, #tpu.memory_space<vmem>>
    %dma_wait3A_283 = arith.constant 0 : i32
    %dma_wait3A_284 = arith.constant 0 : i32
    %dma_wait3A_285 = tpu.memref_slice %arg3[%dma_wait3A_283, %dma_wait3A_284] : memref<8192x768xf32, #tpu.memory_space<hbm>> -> memref<8192x768xf32, #tpu.memory_space<hbm>>
    tpu.wait_indirect_dma semaphore(%arg8 : memref<!tpu.dma_semaphore, #tpu.memory_space<semaphore_mem>>) src(%dma_wait3A_285 : memref<8192x768xf32, #tpu.memory_space<hbm>>) dst(%arg6 : memref<64x768xf32, #tpu.memory_space<vmem>>)
    %add3A_286 = arith.constant 640 : i32
    %add3A_287 = arith.addi %mul3A_32, %add3A_286 : i32
    %dma_start3A_288 = arith.constant 0 : i32
    %dma_start3A_289 = tpu.memref_slice %arg4[%select_n3A, %add3A_287, %dma_start3A_288] : memref<4x8192x768xf32, #tpu.memory_space<hbm>> -> memref<1x64x768xf32, #tpu.memory_space<hbm>>
    %dma_start3A_290 = tpu.memref_squeeze %dma_start3A_289 : memref<1x64x768xf32, #tpu.memory_space<hbm>> -> memref<64x768xf32, #tpu.memory_space<hbm>>
    %dma_start3A_291 = arith.constant 0 : i32
    %dma_start3A_292 = tpu.memref_slice %arg4[%select_n3A, %add3A_287, %dma_start3A_291] : memref<4x8192x768xf32, #tpu.memory_space<hbm>> -> memref<1x64x768xf32, #tpu.memory_space<hbm>>
    %dma_start3A_293 = tpu.memref_squeeze %dma_start3A_292 : memref<1x64x768xf32, #tpu.memory_space<hbm>> -> memref<64x768xf32, #tpu.memory_space<hbm>>
    tpu.enqueue_dma source(%arg6 : memref<64x768xf32, #tpu.memory_space<vmem>>) target(%dma_start3A_293 : memref<64x768xf32, #tpu.memory_space<hbm>>) target_semaphore(%arg10 : memref<!tpu.dma_semaphore, #tpu.memory_space<semaphore_mem>>)
    %dma_wait3A_294 = arith.constant 0 : i32
    %dma_wait3A_295 = tpu.memref_slice %arg4[%select_n3A, %add3A_287, %dma_wait3A_294] : memref<4x8192x768xf32, #tpu.memory_space<hbm>> -> memref<1x64x768xf32, #tpu.memory_space<hbm>>
    %dma_wait3A_296 = tpu.memref_squeeze %dma_wait3A_295 : memref<1x64x768xf32, #tpu.memory_space<hbm>> -> memref<64x768xf32, #tpu.memory_space<hbm>>
    %dma_wait3A_297 = arith.constant 0 : i32
    %dma_wait3A_298 = tpu.memref_slice %arg4[%select_n3A, %add3A_287, %dma_wait3A_297] : memref<4x8192x768xf32, #tpu.memory_space<hbm>> -> memref<1x64x768xf32, #tpu.memory_space<hbm>>
    %dma_wait3A_299 = tpu.memref_squeeze %dma_wait3A_298 : memref<1x64x768xf32, #tpu.memory_space<hbm>> -> memref<64x768xf32, #tpu.memory_space<hbm>>
    tpu.wait_dma2 semaphore(%arg10 : memref<!tpu.dma_semaphore, #tpu.memory_space<semaphore_mem>>) src(%arg6 : memref<64x768xf32, #tpu.memory_space<vmem>>) dst(%dma_wait3A_299 : memref<64x768xf32, #tpu.memory_space<hbm>>)
    %dma_start3A_300 = arith.constant 768 : i32
    %dma_start3A_301 = tpu.memref_slice %arg5[%dma_start3A_300] : memref<1024xi32, #tpu.memory_space<vmem>> -> memref<64xi32, #tpu.memory_space<vmem>>
    %dma_start3A_302 = arith.constant 0 : i32
    %dma_start3A_303 = arith.constant 0 : i32
    %dma_start3A_304 = tpu.memref_slice %arg3[%dma_start3A_302, %dma_start3A_303] : memref<8192x768xf32, #tpu.memory_space<hbm>> -> memref<8192x768xf32, #tpu.memory_space<hbm>>
    tpu.enqueue_indirect_dma source(%dma_start3A_304 : memref<8192x768xf32, #tpu.memory_space<hbm>>) target(%arg6 : memref<64x768xf32, #tpu.memory_space<vmem>>) offsets(%dma_start3A_301 : memref<64xi32, #tpu.memory_space<vmem>>) semaphore(%arg8 : memref<!tpu.dma_semaphore, #tpu.memory_space<semaphore_mem>>)
    %dma_wait3A_305 = arith.constant 704 : i32
    %dma_wait3A_306 = tpu.memref_slice %arg5[%dma_wait3A_305] : memref<1024xi32, #tpu.memory_space<vmem>> -> memref<64xi32, #tpu.memory_space<vmem>>
    %dma_wait3A_307 = arith.constant 0 : i32
    %dma_wait3A_308 = arith.constant 0 : i32
    %dma_wait3A_309 = tpu.memref_slice %arg3[%dma_wait3A_307, %dma_wait3A_308] : memref<8192x768xf32, #tpu.memory_space<hbm>> -> memref<8192x768xf32, #tpu.memory_space<hbm>>
    tpu.wait_indirect_dma semaphore(%arg9 : memref<!tpu.dma_semaphore, #tpu.memory_space<semaphore_mem>>) src(%dma_wait3A_309 : memref<8192x768xf32, #tpu.memory_space<hbm>>) dst(%arg7 : memref<64x768xf32, #tpu.memory_space<vmem>>)
    %add3A_310 = arith.constant 704 : i32
    %add3A_311 = arith.addi %mul3A_32, %add3A_310 : i32
    %dma_start3A_312 = arith.constant 0 : i32
    %dma_start3A_313 = tpu.memref_slice %arg4[%select_n3A, %add3A_311, %dma_start3A_312] : memref<4x8192x768xf32, #tpu.memory_space<hbm>> -> memref<1x64x768xf32, #tpu.memory_space<hbm>>
    %dma_start3A_314 = tpu.memref_squeeze %dma_start3A_313 : memref<1x64x768xf32, #tpu.memory_space<hbm>> -> memref<64x768xf32, #tpu.memory_space<hbm>>
    %dma_start3A_315 = arith.constant 0 : i32
    %dma_start3A_316 = tpu.memref_slice %arg4[%select_n3A, %add3A_311, %dma_start3A_315] : memref<4x8192x768xf32, #tpu.memory_space<hbm>> -> memref<1x64x768xf32, #tpu.memory_space<hbm>>
    %dma_start3A_317 = tpu.memref_squeeze %dma_start3A_316 : memref<1x64x768xf32, #tpu.memory_space<hbm>> -> memref<64x768xf32, #tpu.memory_space<hbm>>
    tpu.enqueue_dma source(%arg7 : memref<64x768xf32, #tpu.memory_space<vmem>>) target(%dma_start3A_317 : memref<64x768xf32, #tpu.memory_space<hbm>>) target_semaphore(%arg11 : memref<!tpu.dma_semaphore, #tpu.memory_space<semaphore_mem>>)
    %dma_wait3A_318 = arith.constant 0 : i32
    %dma_wait3A_319 = tpu.memref_slice %arg4[%select_n3A, %add3A_311, %dma_wait3A_318] : memref<4x8192x768xf32, #tpu.memory_space<hbm>> -> memref<1x64x768xf32, #tpu.memory_space<hbm>>
    %dma_wait3A_320 = tpu.memref_squeeze %dma_wait3A_319 : memref<1x64x768xf32, #tpu.memory_space<hbm>> -> memref<64x768xf32, #tpu.memory_space<hbm>>
    %dma_wait3A_321 = arith.constant 0 : i32
    %dma_wait3A_322 = tpu.memref_slice %arg4[%select_n3A, %add3A_311, %dma_wait3A_321] : memref<4x8192x768xf32, #tpu.memory_space<hbm>> -> memref<1x64x768xf32, #tpu.memory_space<hbm>>
    %dma_wait3A_323 = tpu.memref_squeeze %dma_wait3A_322 : memref<1x64x768xf32, #tpu.memory_space<hbm>> -> memref<64x768xf32, #tpu.memory_space<hbm>>
    tpu.wait_dma2 semaphore(%arg11 : memref<!tpu.dma_semaphore, #tpu.memory_space<semaphore_mem>>) src(%arg7 : memref<64x768xf32, #tpu.memory_space<vmem>>) dst(%dma_wait3A_323 : memref<64x768xf32, #tpu.memory_space<hbm>>)
    %dma_start3A_324 = arith.constant 832 : i32
    %dma_start3A_325 = tpu.memref_slice %arg5[%dma_start3A_324] : memref<1024xi32, #tpu.memory_space<vmem>> -> memref<64xi32, #tpu.memory_space<vmem>>
    %dma_start3A_326 = arith.constant 0 : i32
    %dma_start3A_327 = arith.constant 0 : i32
    %dma_start3A_328 = tpu.memref_slice %arg3[%dma_start3A_326, %dma_start3A_327] : memref<8192x768xf32, #tpu.memory_space<hbm>> -> memref<8192x768xf32, #tpu.memory_space<hbm>>
    tpu.enqueue_indirect_dma source(%dma_start3A_328 : memref<8192x768xf32, #tpu.memory_space<hbm>>) target(%arg7 : memref<64x768xf32, #tpu.memory_space<vmem>>) offsets(%dma_start3A_325 : memref<64xi32, #tpu.memory_space<vmem>>) semaphore(%arg9 : memref<!tpu.dma_semaphore, #tpu.memory_space<semaphore_mem>>)
    %dma_wait3A_329 = arith.constant 768 : i32
    %dma_wait3A_330 = tpu.memref_slice %arg5[%dma_wait3A_329] : memref<1024xi32, #tpu.memory_space<vmem>> -> memref<64xi32, #tpu.memory_space<vmem>>
    %dma_wait3A_331 = arith.constant 0 : i32
    %dma_wait3A_332 = arith.constant 0 : i32
    %dma_wait3A_333 = tpu.memref_slice %arg3[%dma_wait3A_331, %dma_wait3A_332] : memref<8192x768xf32, #tpu.memory_space<hbm>> -> memref<8192x768xf32, #tpu.memory_space<hbm>>
    tpu.wait_indirect_dma semaphore(%arg8 : memref<!tpu.dma_semaphore, #tpu.memory_space<semaphore_mem>>) src(%dma_wait3A_333 : memref<8192x768xf32, #tpu.memory_space<hbm>>) dst(%arg6 : memref<64x768xf32, #tpu.memory_space<vmem>>)
    %add3A_334 = arith.constant 768 : i32
    %add3A_335 = arith.addi %mul3A_32, %add3A_334 : i32
    %dma_start3A_336 = arith.constant 0 : i32
    %dma_start3A_337 = tpu.memref_slice %arg4[%select_n3A, %add3A_335, %dma_start3A_336] : memref<4x8192x768xf32, #tpu.memory_space<hbm>> -> memref<1x64x768xf32, #tpu.memory_space<hbm>>
    %dma_start3A_338 = tpu.memref_squeeze %dma_start3A_337 : memref<1x64x768xf32, #tpu.memory_space<hbm>> -> memref<64x768xf32, #tpu.memory_space<hbm>>
    %dma_start3A_339 = arith.constant 0 : i32
    %dma_start3A_340 = tpu.memref_slice %arg4[%select_n3A, %add3A_335, %dma_start3A_339] : memref<4x8192x768xf32, #tpu.memory_space<hbm>> -> memref<1x64x768xf32, #tpu.memory_space<hbm>>
    %dma_start3A_341 = tpu.memref_squeeze %dma_start3A_340 : memref<1x64x768xf32, #tpu.memory_space<hbm>> -> memref<64x768xf32, #tpu.memory_space<hbm>>
    tpu.enqueue_dma source(%arg6 : memref<64x768xf32, #tpu.memory_space<vmem>>) target(%dma_start3A_341 : memref<64x768xf32, #tpu.memory_space<hbm>>) target_semaphore(%arg10 : memref<!tpu.dma_semaphore, #tpu.memory_space<semaphore_mem>>)
    %dma_wait3A_342 = arith.constant 0 : i32
    %dma_wait3A_343 = tpu.memref_slice %arg4[%select_n3A, %add3A_335, %dma_wait3A_342] : memref<4x8192x768xf32, #tpu.memory_space<hbm>> -> memref<1x64x768xf32, #tpu.memory_space<hbm>>
    %dma_wait3A_344 = tpu.memref_squeeze %dma_wait3A_343 : memref<1x64x768xf32, #tpu.memory_space<hbm>> -> memref<64x768xf32, #tpu.memory_space<hbm>>
    %dma_wait3A_345 = arith.constant 0 : i32
    %dma_wait3A_346 = tpu.memref_slice %arg4[%select_n3A, %add3A_335, %dma_wait3A_345] : memref<4x8192x768xf32, #tpu.memory_space<hbm>> -> memref<1x64x768xf32, #tpu.memory_space<hbm>>
    %dma_wait3A_347 = tpu.memref_squeeze %dma_wait3A_346 : memref<1x64x768xf32, #tpu.memory_space<hbm>> -> memref<64x768xf32, #tpu.memory_space<hbm>>
    tpu.wait_dma2 semaphore(%arg10 : memref<!tpu.dma_semaphore, #tpu.memory_space<semaphore_mem>>) src(%arg6 : memref<64x768xf32, #tpu.memory_space<vmem>>) dst(%dma_wait3A_347 : memref<64x768xf32, #tpu.memory_space<hbm>>)
    %dma_start3A_348 = arith.constant 896 : i32
    %dma_start3A_349 = tpu.memref_slice %arg5[%dma_start3A_348] : memref<1024xi32, #tpu.memory_space<vmem>> -> memref<64xi32, #tpu.memory_space<vmem>>
    %dma_start3A_350 = arith.constant 0 : i32
    %dma_start3A_351 = arith.constant 0 : i32
    %dma_start3A_352 = tpu.memref_slice %arg3[%dma_start3A_350, %dma_start3A_351] : memref<8192x768xf32, #tpu.memory_space<hbm>> -> memref<8192x768xf32, #tpu.memory_space<hbm>>
    tpu.enqueue_indirect_dma source(%dma_start3A_352 : memref<8192x768xf32, #tpu.memory_space<hbm>>) target(%arg6 : memref<64x768xf32, #tpu.memory_space<vmem>>) offsets(%dma_start3A_349 : memref<64xi32, #tpu.memory_space<vmem>>) semaphore(%arg8 : memref<!tpu.dma_semaphore, #tpu.memory_space<semaphore_mem>>)
    %dma_wait3A_353 = arith.constant 832 : i32
    %dma_wait3A_354 = tpu.memref_slice %arg5[%dma_wait3A_353] : memref<1024xi32, #tpu.memory_space<vmem>> -> memref<64xi32, #tpu.memory_space<vmem>>
    %dma_wait3A_355 = arith.constant 0 : i32
    %dma_wait3A_356 = arith.constant 0 : i32
    %dma_wait3A_357 = tpu.memref_slice %arg3[%dma_wait3A_355, %dma_wait3A_356] : memref<8192x768xf32, #tpu.memory_space<hbm>> -> memref<8192x768xf32, #tpu.memory_space<hbm>>
    tpu.wait_indirect_dma semaphore(%arg9 : memref<!tpu.dma_semaphore, #tpu.memory_space<semaphore_mem>>) src(%dma_wait3A_357 : memref<8192x768xf32, #tpu.memory_space<hbm>>) dst(%arg7 : memref<64x768xf32, #tpu.memory_space<vmem>>)
    %add3A_358 = arith.constant 832 : i32
    %add3A_359 = arith.addi %mul3A_32, %add3A_358 : i32
    %dma_start3A_360 = arith.constant 0 : i32
    %dma_start3A_361 = tpu.memref_slice %arg4[%select_n3A, %add3A_359, %dma_start3A_360] : memref<4x8192x768xf32, #tpu.memory_space<hbm>> -> memref<1x64x768xf32, #tpu.memory_space<hbm>>
    %dma_start3A_362 = tpu.memref_squeeze %dma_start3A_361 : memref<1x64x768xf32, #tpu.memory_space<hbm>> -> memref<64x768xf32, #tpu.memory_space<hbm>>
    %dma_start3A_363 = arith.constant 0 : i32
    %dma_start3A_364 = tpu.memref_slice %arg4[%select_n3A, %add3A_359, %dma_start3A_363] : memref<4x8192x768xf32, #tpu.memory_space<hbm>> -> memref<1x64x768xf32, #tpu.memory_space<hbm>>
    %dma_start3A_365 = tpu.memref_squeeze %dma_start3A_364 : memref<1x64x768xf32, #tpu.memory_space<hbm>> -> memref<64x768xf32, #tpu.memory_space<hbm>>
    tpu.enqueue_dma source(%arg7 : memref<64x768xf32, #tpu.memory_space<vmem>>) target(%dma_start3A_365 : memref<64x768xf32, #tpu.memory_space<hbm>>) target_semaphore(%arg11 : memref<!tpu.dma_semaphore, #tpu.memory_space<semaphore_mem>>)
    %dma_wait3A_366 = arith.constant 0 : i32
    %dma_wait3A_367 = tpu.memref_slice %arg4[%select_n3A, %add3A_359, %dma_wait3A_366] : memref<4x8192x768xf32, #tpu.memory_space<hbm>> -> memref<1x64x768xf32, #tpu.memory_space<hbm>>
    %dma_wait3A_368 = tpu.memref_squeeze %dma_wait3A_367 : memref<1x64x768xf32, #tpu.memory_space<hbm>> -> memref<64x768xf32, #tpu.memory_space<hbm>>
    %dma_wait3A_369 = arith.constant 0 : i32
    %dma_wait3A_370 = tpu.memref_slice %arg4[%select_n3A, %add3A_359, %dma_wait3A_369] : memref<4x8192x768xf32, #tpu.memory_space<hbm>> -> memref<1x64x768xf32, #tpu.memory_space<hbm>>
    %dma_wait3A_371 = tpu.memref_squeeze %dma_wait3A_370 : memref<1x64x768xf32, #tpu.memory_space<hbm>> -> memref<64x768xf32, #tpu.memory_space<hbm>>
    tpu.wait_dma2 semaphore(%arg11 : memref<!tpu.dma_semaphore, #tpu.memory_space<semaphore_mem>>) src(%arg7 : memref<64x768xf32, #tpu.memory_space<vmem>>) dst(%dma_wait3A_371 : memref<64x768xf32, #tpu.memory_space<hbm>>)
    %dma_start3A_372 = arith.constant 960 : i32
    %dma_start3A_373 = tpu.memref_slice %arg5[%dma_start3A_372] : memref<1024xi32, #tpu.memory_space<vmem>> -> memref<64xi32, #tpu.memory_space<vmem>>
    %dma_start3A_374 = arith.constant 0 : i32
    %dma_start3A_375 = arith.constant 0 : i32
    %dma_start3A_376 = tpu.memref_slice %arg3[%dma_start3A_374, %dma_start3A_375] : memref<8192x768xf32, #tpu.memory_space<hbm>> -> memref<8192x768xf32, #tpu.memory_space<hbm>>
    tpu.enqueue_indirect_dma source(%dma_start3A_376 : memref<8192x768xf32, #tpu.memory_space<hbm>>) target(%arg7 : memref<64x768xf32, #tpu.memory_space<vmem>>) offsets(%dma_start3A_373 : memref<64xi32, #tpu.memory_space<vmem>>) semaphore(%arg9 : memref<!tpu.dma_semaphore, #tpu.memory_space<semaphore_mem>>)
    %dma_wait3A_377 = arith.constant 896 : i32
    %dma_wait3A_378 = tpu.memref_slice %arg5[%dma_wait3A_377] : memref<1024xi32, #tpu.memory_space<vmem>> -> memref<64xi32, #tpu.memory_space<vmem>>
    %dma_wait3A_379 = arith.constant 0 : i32
    %dma_wait3A_380 = arith.constant 0 : i32
    %dma_wait3A_381 = tpu.memref_slice %arg3[%dma_wait3A_379, %dma_wait3A_380] : memref<8192x768xf32, #tpu.memory_space<hbm>> -> memref<8192x768xf32, #tpu.memory_space<hbm>>
    tpu.wait_indirect_dma semaphore(%arg8 : memref<!tpu.dma_semaphore, #tpu.memory_space<semaphore_mem>>) src(%dma_wait3A_381 : memref<8192x768xf32, #tpu.memory_space<hbm>>) dst(%arg6 : memref<64x768xf32, #tpu.memory_space<vmem>>)
    %add3A_382 = arith.constant 896 : i32
    %add3A_383 = arith.addi %mul3A_32, %add3A_382 : i32
    %dma_start3A_384 = arith.constant 0 : i32
    %dma_start3A_385 = tpu.memref_slice %arg4[%select_n3A, %add3A_383, %dma_start3A_384] : memref<4x8192x768xf32, #tpu.memory_space<hbm>> -> memref<1x64x768xf32, #tpu.memory_space<hbm>>
    %dma_start3A_386 = tpu.memref_squeeze %dma_start3A_385 : memref<1x64x768xf32, #tpu.memory_space<hbm>> -> memref<64x768xf32, #tpu.memory_space<hbm>>
    %dma_start3A_387 = arith.constant 0 : i32
    %dma_start3A_388 = tpu.memref_slice %arg4[%select_n3A, %add3A_383, %dma_start3A_387] : memref<4x8192x768xf32, #tpu.memory_space<hbm>> -> memref<1x64x768xf32, #tpu.memory_space<hbm>>
    %dma_start3A_389 = tpu.memref_squeeze %dma_start3A_388 : memref<1x64x768xf32, #tpu.memory_space<hbm>> -> memref<64x768xf32, #tpu.memory_space<hbm>>
    tpu.enqueue_dma source(%arg6 : memref<64x768xf32, #tpu.memory_space<vmem>>) target(%dma_start3A_389 : memref<64x768xf32, #tpu.memory_space<hbm>>) target_semaphore(%arg10 : memref<!tpu.dma_semaphore, #tpu.memory_space<semaphore_mem>>)
    %dma_wait3A_390 = arith.constant 960 : i32
    %dma_wait3A_391 = tpu.memref_slice %arg5[%dma_wait3A_390] : memref<1024xi32, #tpu.memory_space<vmem>> -> memref<64xi32, #tpu.memory_space<vmem>>
    %dma_wait3A_392 = arith.constant 0 : i32
    %dma_wait3A_393 = arith.constant 0 : i32
    %dma_wait3A_394 = tpu.memref_slice %arg3[%dma_wait3A_392, %dma_wait3A_393] : memref<8192x768xf32, #tpu.memory_space<hbm>> -> memref<8192x768xf32, #tpu.memory_space<hbm>>
    tpu.wait_indirect_dma semaphore(%arg9 : memref<!tpu.dma_semaphore, #tpu.memory_space<semaphore_mem>>) src(%dma_wait3A_394 : memref<8192x768xf32, #tpu.memory_space<hbm>>) dst(%arg7 : memref<64x768xf32, #tpu.memory_space<vmem>>)
    %add3A_395 = arith.constant 960 : i32
    %add3A_396 = arith.addi %mul3A_32, %add3A_395 : i32
    %dma_start3A_397 = arith.constant 0 : i32
    %dma_start3A_398 = tpu.memref_slice %arg4[%select_n3A, %add3A_396, %dma_start3A_397] : memref<4x8192x768xf32, #tpu.memory_space<hbm>> -> memref<1x64x768xf32, #tpu.memory_space<hbm>>
    %dma_start3A_399 = tpu.memref_squeeze %dma_start3A_398 : memref<1x64x768xf32, #tpu.memory_space<hbm>> -> memref<64x768xf32, #tpu.memory_space<hbm>>
    %dma_start3A_400 = arith.constant 0 : i32
    %dma_start3A_401 = tpu.memref_slice %arg4[%select_n3A, %add3A_396, %dma_start3A_400] : memref<4x8192x768xf32, #tpu.memory_space<hbm>> -> memref<1x64x768xf32, #tpu.memory_space<hbm>>
    %dma_start3A_402 = tpu.memref_squeeze %dma_start3A_401 : memref<1x64x768xf32, #tpu.memory_space<hbm>> -> memref<64x768xf32, #tpu.memory_space<hbm>>
    tpu.enqueue_dma source(%arg7 : memref<64x768xf32, #tpu.memory_space<vmem>>) target(%dma_start3A_402 : memref<64x768xf32, #tpu.memory_space<hbm>>) target_semaphore(%arg11 : memref<!tpu.dma_semaphore, #tpu.memory_space<semaphore_mem>>)
    %dma_wait3A_403 = arith.constant 0 : i32
    %dma_wait3A_404 = tpu.memref_slice %arg4[%select_n3A, %add3A_383, %dma_wait3A_403] : memref<4x8192x768xf32, #tpu.memory_space<hbm>> -> memref<1x64x768xf32, #tpu.memory_space<hbm>>
    %dma_wait3A_405 = tpu.memref_squeeze %dma_wait3A_404 : memref<1x64x768xf32, #tpu.memory_space<hbm>> -> memref<64x768xf32, #tpu.memory_space<hbm>>
    %dma_wait3A_406 = arith.constant 0 : i32
    %dma_wait3A_407 = tpu.memref_slice %arg4[%select_n3A, %add3A_383, %dma_wait3A_406] : memref<4x8192x768xf32, #tpu.memory_space<hbm>> -> memref<1x64x768xf32, #tpu.memory_space<hbm>>
    %dma_wait3A_408 = tpu.memref_squeeze %dma_wait3A_407 : memref<1x64x768xf32, #tpu.memory_space<hbm>> -> memref<64x768xf32, #tpu.memory_space<hbm>>
    tpu.wait_dma2 semaphore(%arg10 : memref<!tpu.dma_semaphore, #tpu.memory_space<semaphore_mem>>) src(%arg6 : memref<64x768xf32, #tpu.memory_space<vmem>>) dst(%dma_wait3A_408 : memref<64x768xf32, #tpu.memory_space<hbm>>)
    %dma_wait3A_409 = arith.constant 0 : i32
    %dma_wait3A_410 = tpu.memref_slice %arg4[%select_n3A, %add3A_396, %dma_wait3A_409] : memref<4x8192x768xf32, #tpu.memory_space<hbm>> -> memref<1x64x768xf32, #tpu.memory_space<hbm>>
    %dma_wait3A_411 = tpu.memref_squeeze %dma_wait3A_410 : memref<1x64x768xf32, #tpu.memory_space<hbm>> -> memref<64x768xf32, #tpu.memory_space<hbm>>
    %dma_wait3A_412 = arith.constant 0 : i32
    %dma_wait3A_413 = tpu.memref_slice %arg4[%select_n3A, %add3A_396, %dma_wait3A_412] : memref<4x8192x768xf32, #tpu.memory_space<hbm>> -> memref<1x64x768xf32, #tpu.memory_space<hbm>>
    %dma_wait3A_414 = tpu.memref_squeeze %dma_wait3A_413 : memref<1x64x768xf32, #tpu.memory_space<hbm>> -> memref<64x768xf32, #tpu.memory_space<hbm>>
    tpu.wait_dma2 semaphore(%arg11 : memref<!tpu.dma_semaphore, #tpu.memory_space<semaphore_mem>>) src(%arg7 : memref<64x768xf32, #tpu.memory_space<vmem>>) dst(%dma_wait3A_414 : memref<64x768xf32, #tpu.memory_space<hbm>>)
    return
  }
}

</mosaic_0001>

<sc_bundles>
// kernel: _posenc.3.cloned.1.call-start
scs
__scs_entry_jumppad:
0x0: {  	(pc) =	sbr.rel $0x88, $3  }
0x1: {  	(tag) =	ssettag $0x0;
	lr =	simm.s32 $0x1  }
0x2: {  	[smem:$0x3F9F] =	sst lr;
	_ =	strace $0xD0000000  }
0x3: {  	_ = 	snop  }
0x4: {  	_ = 	snop  }
0x5: {  	_ = 	snop  }
0x6: {  	_ = 	snop  }
0x7: {  	_ = 	snop  }
__scs_overlays_trampoline_lowered:
0x8: {  	[smem:$0x3FAE] =	sst s0  }
0x9: {  	[smem:$0x3FAF] =	sst s1  }
0xa: {  	[smem:$0x3FB0] =	sst s2  }
0xb: {  	[smem:$0x3FB1] =	sst s3  }
0xc: {  	[smem:$0x3FB2] =	sst s4  }
0xd: {  	[smem:$0x3FB3] =	sst s5  }
0xe: {  	[smem:$0x3FB4] =	sst s6  }
0xf: {  	[smem:$0x3FB5] =	sst s7  }
0x10: {  	[smem:$0x3FB6] =	sst s8  }
0x11: {  	[smem:$0x3FB7] =	sst s9;
	s0 =	simm.s32 @!p0 $0x0  }
0x12: {  	s1 =	sld [smem:$0x3F9D];
	s0 =	simm.s32 @p0 $0x1  }
0x13: {  	[smem:$0x3FB8] =	sst s0;
	s0 =	simm.s32 @!p1 $0x0  }
0x14: {  	s2 =	sld [smem:$0x3F9C];
	s0 =	simm.s32 @p1 $0x1  }
0x15: {  	[smem:$0x3FB9] =	sst s0;
	s0 =	simm.s32 @!p2 $0x0  }
0x16: {  	s3 =	sld [smem:$0x3FDB];
	s0 =	simm.s32 @p2 $0x1  }
0x17: {  	s4 =	simm.s32 $0x1BF5;
	[smem:$0x3FBB] =	sst s0  }
0x18: {  	s0 =	sld [smem:$0x3F9E];
	_ =	swait.ge [sflag:s4], $0x0  }
0x19: {  	s7 =	sld [smem:$0x3F9F]  }
0x1a: {  	s8 =	sadd.s32 $0xFFFFE003, lr  }
0x1b: {  	s9 =	sadd.s32 $0xFFFFFEF7, lr;
	s5 =	simm.s32 $0xFFFFFFFF;
	p2 =	slt.u32 s8, $0xFFFFF086  }
0x1c: {  	p1 =	slt.u32 s9, $0xF7A;
	s5 =	simm.s32 @!p2 $0x0  }
0x1d: {  	s5 =	simm.s32 @p1 $0x1;
	p0 =	seq.s32 s7, s2  }
0x1e: {  	s7 =	smul.u32 @!p0 $0xF7A, s2;
	p2 =	seq.s32 @!p0 s5, $0x0  }
0x1f: {  	s9 =	smul.u32 $0xF7A, s1;
	s8 =	simm.s32 @!p0 $0x1BF5;
	p2 =	por !p2, p0  }
0x20: {  	[sflag:s8] =	ssyncset.s32 @!p0 $0xFFFFF086;
	s6 =	sadd.s32 @!p0 s3, s7;
	s7 =	simm.s32 @!p0 $0x108  }
0x21: {  	s3 =	sadd.s32 s3, s9;
	s6 =	sadd.s32 @!p0 $0x88, s6;
	s7 =	simm.s32 @p2 $0x1082  }
0x22: {  	[simem:s7], [sflag:s8] =	dma.local @!p0 [hbm:s6], $0xF7A  }
0x23: {  	s9 =	sor.u32 $0xD0000000, s2;
	s6 =	simm.s32 $0x108;
	_ =	swait.ge @!p0 [sflag:s8], $0x0  }
0x24: {  	s3 =	sadd.s32 $0x88, s3;
	s6 =	simm.s32 @!p1 $0x1082;
	[sflag:s4] =	ssyncset.s32 $0xFFFFF086  }
0x25: {  	[simem:s6], [sflag:s4] =	dma.local [hbm:s3], $0xF7A  }
0x26: {  	[smem:$0x3F9F] =	sst s1;
	(tag) =	ssettag s2;
	_ =	strace s9  }
0x27: {  	s1 =	sld [smem:$0x3FAF]  }
0x28: {  	s2 =	sld [smem:$0x3FB0]  }
0x29: {  	s4 =	sld [smem:$0x3FB2]  }
0x2a: {  	p0 =	seq.s32 s5, $0x0;
	s5 =	sld [smem:$0x3FB3]  }
0x2b: {  	s6 =	sld [smem:$0x3FB4]  }
0x2c: {  	s7 =	sld [smem:$0x3FB5]  }
0x2d: {  	s3 =	simm.s32 $0x108;
	s8 =	sld [smem:$0x3FB6]  }
0x2e: {  	s3 =	simm.s32 @!p0 $0x1082;
	s9 =	sld [smem:$0x3FB7]  }
0x2f: {  	lr =	sadd.s32 s0, s3;
	s0 =	sld [smem:$0x3FAE]  }
0x30: {  	s3 =	sld [smem:$0x3FB1]  }
0x31: {  	[smem:$0x3FBA] =	sst s10  }
0x32: {  	s10 =	sld [smem:$0x3FB8];
	_ =	sdelay $0x3  }
0x33: {  	p0 =	seq.s32 s10, $0x1;
	s10 =	sld [smem:$0x3FBA];
	_ =	sdelay $0x3  }
0x34: {  	[smem:$0x3FBA] =	sst s10  }
0x35: {  	s10 =	sld [smem:$0x3FB9];
	_ =	sdelay $0x3  }
0x36: {  	p1 =	seq.s32 s10, $0x1;
	s10 =	sld [smem:$0x3FBA];
	_ =	sdelay $0x3  }
0x37: {  	[smem:$0x3FBA] =	sst s10  }
0x38: {  	s10 =	sld [smem:$0x3FBB]  }
0x39: {  	_ = 	snop;
	(pc) =	sbr.ind lr, $3  }
0x3a: {  	_ = 	snop  }
0x3b: {  	_ = 	snop  }
0x3c: {  	p2 =	seq.s32 s10, $0x1;
	s10 =	sld [smem:$0x3FBA]  }
0x3d: {  	_ =	shalt  }
0x3e: {  	_ =	shalt  }
0x3f: {  	_ =	shalt  }
0x40: {  	_ =	shalt  }
0x41: {  	_ =	shalt  }
0x42: {  	_ =	shalt  }
0x43: {  	_ =	shalt  }
0x44: {  	_ =	shalt  }
0x45: {  	_ =	shalt  }
0x46: {  	_ =	shalt  }
0x47: {  	_ =	shalt  }
0x48: {  	_ =	shalt  }
0x49: {  	_ =	shalt  }
0x4a: {  	_ =	shalt  }
0x4b: {  	_ =	shalt  }
0x4c: {  	_ =	shalt  }
0x4d: {  	_ =	shalt  }
0x4e: {  	_ =	shalt  }
0x4f: {  	_ =	shalt  }
0x50: {  	_ =	shalt  }
0x51: {  	_ =	shalt  }
0x52: {  	_ =	shalt  }
0x53: {  	_ =	shalt  }
0x54: {  	_ =	shalt  }
0x55: {  	_ =	shalt  }
0x56: {  	_ =	shalt  }
0x57: {  	_ =	shalt  }
0x58: {  	_ =	shalt  }
0x59: {  	_ =	shalt  }
0x5a: {  	_ =	shalt  }
0x5b: {  	_ =	shalt  }
0x5c: {  	_ =	shalt  }
0x5d: {  	_ =	shalt  }
0x5e: {  	_ =	shalt  }
0x5f: {  	_ =	shalt  }
0x60: {  	_ =	shalt  }
0x61: {  	_ =	shalt  }
0x62: {  	_ =	shalt  }
0x63: {  	_ =	shalt  }
0x64: {  	_ =	shalt  }
0x65: {  	_ =	shalt  }
0x66: {  	_ =	shalt  }
0x67: {  	_ =	shalt  }
0x68: {  	_ =	shalt  }
0x69: {  	_ =	shalt  }
0x6a: {  	_ =	shalt  }
0x6b: {  	_ =	shalt  }
0x6c: {  	_ =	shalt  }
0x6d: {  	_ =	shalt  }
0x6e: {  	_ =	shalt  }
0x6f: {  	_ =	shalt  }
0x70: {  	_ =	shalt  }
0x71: {  	_ =	shalt  }
0x72: {  	_ =	shalt  }
0x73: {  	_ =	shalt  }
0x74: {  	_ =	shalt  }
0x75: {  	_ =	shalt  }
0x76: {  	_ =	shalt  }
0x77: {  	_ =	shalt  }
0x78: {  	_ =	shalt  }
0x79: {  	_ =	shalt  }
0x7a: {  	_ =	shalt  }
0x7b: {  	_ =	shalt  }
0x7c: {  	_ =	shalt  }
0x7d: {  	_ =	shalt  }
0x7e: {  	_ =	shalt  }
0x7f: {  	_ =	shalt  }
0x80: {  	_ =	shalt  }
0x81: {  	_ =	shalt  }
0x82: {  	_ =	shalt  }
0x83: {  	_ =	shalt  }
0x84: {  	_ =	shalt  }
0x85: {  	_ =	shalt  }
0x86: {  	_ =	shalt  }
0x87: {  	_ =	shalt  }
.Lfunc_end0:
.L_simem_size_0:
called_computation_lowered:
.L_overlay_start_0:
0x88: {  	s2 =	sld [smem:$0x3FD9]  }
0x89: {  	s3 =	sld [smem:$0x3FFE];
	_ =	sdelay $0x1  }
0x8a: {  	s1 =	srdreg.scid  }
0x8b: {  	s0 =	sand.u32 $0x1, s1  }
0x8c: {  	s18 =	sshll.u32 s0, $0xA;
	s2 =	sadd.s32 s3, s2  }
0x8d: {  	s2 =	sadd.s32 s2, s18  }
0x8e: {  	[smem:$0x3FC6] =	sst s2  }
0x8f: {  	_ = 	snop  }
0x90: {  	s2 =	sld [smem:$0x3FC9]  }
0x91: {  	s19 =	sld [smem:$0x3FC8]  }
0x92: {  	s4 =	sld [smem:$0x3FD0];
	(tm) =	ssettm $0x1  }
0x93: {  	s5 =	sld [smem:$0x3FFB];
	_ =	sdelay $0x3  }
0x94: {  	_ =	strace s5  }
0x95: {  	s5 =	sld [smem:$0x3FFC];
	_ =	sdelay $0x3  }
0x96: {  	_ =	strace s5  }
0x97: {  	s5 =	sld [smem:$0x3FFD];
	_ =	sdelay $0x3  }
0x98: {  	_ =	strace s5  }
0x99: {  	_ =	strace $0x8FFFFFFF  }
0x9a: {  	s20 =	sld [smem:$0x3FDB];
	_ =	sdelay $0x1  }
0x9b: {  	s6 =	simm.s32 $_scs_section_size  }
0x9c: {  	s7 =	simm.s32 $_size__tile_overlayer_lowered;
	s8 =	simm.s32 $_tile_overlayer_lowered  }
0x9d: {  	s23 =	simm.s32 $0x1BFF;
	s22 =	sshll.u32 s8, $0x1;
	s5 =	sadd.s32 s6, s20  }
0x9e: {  	s9 =	simm.s32 $0x0;
	s21 =	sshll.u32 s7, $0x1;
	s7 =	sadd.s32 s22, s5  }
0x9f: {  	[timem:s9], [sflag:s23] =	dma.local [hbm:s7], s21  }
0xa0: {  	_ =	swait.ge [sflag:s23], s21  }
0xa1: {  	s6 =	ssub.s32 $0x0, s21;
	[sflag:s23] =	ssyncset.done $0x0  }
0xa2: {  	[sflag:s23] =	ssyncadd.s32 s6;
	_ =	sdelay $0x1  }
0xa3: {  	s24 =	simm.s32 $0x1B8B  }
0xa4: {  	_ =	swait.ge [sflag:s24], $0x1  }
0xa5: {  	[sflag:s24] =	ssyncset.done $0x0  }
0xa6: {  	s25 =	simm.s32 $0x1B8E;
	[sflag:s24] =	ssyncadd.s32 $0xFFFFFFFF  }
0xa7: {  	s26 =	simm.s32 $execute0_lowered;
	[smem:$0x3FD2] =	sst s25  }
0xa8: {  	s6 =	sshll.u32 s26, $0x1;
	_ =	strace $0x80000046;
	[dreg:$0x1] =	wrdreg $0xFFFFFFFF  }
0xa9: {  	s28 =	simm.s32 $_size_execute0_lowered;
	s5 =	sadd.s32 s5, s6;
	[dreg:$0x0] =	wrdreg $0x0  }
0xaa: {  	s6 =	sshll.u32 s28, $0x1;
	[dreg:$0x2] =	wrdreg s5  }
0xab: {  	[dreg:$0x3] =	wrdreg s6  }
0xac: {  	[dreg:$0x4] =	wrdreg $0xC0  }
0xad: {  	_ =	task [dreg:s9], $0x5FFFF  }
0xae: {  	[dreg:$0x1] =	wrdreg $0xFFFFFFFF  }
0xaf: {  	[dreg:$0x0] =	wrdreg $0x60  }
0xb0: {  	[dreg:$0x2] =	wrdreg s2  }
0xb1: {  	[dreg:$0x3] =	wrdreg s19  }
0xb2: {  	[dreg:$0x4] =	wrdreg s4  }
0xb3: {  	[dreg:$0x5] =	wrdreg $0x9  }
0xb4: {  	_ =	task.clear_ibuf [dreg:s9], $0x6FFFF;
	_ =	strace $0x90000046  }
0xb5: {  	s29 =	simm.s32 $0x9;
	_ =	strace $0x80000048  }
0xb6: {  	_ =	swait.ge [sflag:s29], $0x1  }
0xb7: {  	[sflag:s29] =	ssyncadd.s32 $0xFFFFFFFF  }
0xb8: {  	_ =	strace $0x90000048  }
0xb9: {  	_ =	sfence  }
0xba: {  	s30 =	sld [smem:$0x0];
	_ =	sdelay $0x2  }
0xbb: {  	s31 =	sshll.u32 s1, $0xD;
	s1 =	sshrl.u32 s1, $0x2  }
0xbc: {  	s3 =	sand.u32 $0x4000, s31;
	s1 =	sadd.s32 s1, s30  }
0xbd: {  	s0 =	sor.u32 s3, s0;
	s1 =	sshll.u32 s1, $0x11  }
0xbe: {  	s0 =	sor.u32 s1, s0  }
0xbf: {  	s0 =	sadd.s32 $0x8F2B, s0  }
0xc0: {  	[sflag:s0] =	ssyncadd.remote.s32 $0x1  }
0xc1: {  	_ =	sfence.sel $0xFFFF  }
0xc2: {  	[dreg:$0x0] =	wrdreg $0xFFFFFFFF;
	(pc) =	sbr.abs _section_cstart, $3  }
0xc3: {  	[dreg:$0x1] =	wrdreg $0xFFFFFFFF  }
0xc4: {  	_ =	task.clear_ibuf [dreg:s9], $0x2FFFF;
	_ =	strace $0x9FFFFFFF  }
0xc5: {  	(tm) =	ssettm $0x7FFFFFFF  }
tec
execute0_lowered:
.L_overlay_start_1:
0x0: {  	(tag) =	ssettag $0x1  }
0x1: {  	s4 =	stileid.u32;
	s0 =	rddreg [dreg:$0x0]  }
0x2: {  	s1 =	srdreg.scid;
	s7 =	rddreg [dreg:$0x2]  }
0x3: {  	s30 =	simm.s32 $0x80;
	s31 =	simm.s32 $0x200;
	s2 =	sshll.u32 s4, $0x1  }
0x4: {  	s1 =	sand.u32 $0x1, s1;
	s4 =	sshrl.u32 s4, $0x2;
	s3 =	sand.u32 $0x6, s2  }
0x5: {  	s2 =	rddreg [dreg:$0x1];
	s6 =	smul.u32 $0x600000, s4;
	s5 =	sor.u32 s1, s3  }
0x6: {  	s4 =	sshll.u32 s4, $0x4;
	s3 =	simm.s32 $0x0;
	s8 =	smul.u32 $0xC0000, s5  }
0x7: {  	s0 =	sadd.s32 s0, s4;
	[smem:$0x7FF] =	sst s3;
	s5 =	sshll.u32 s5, $0x9  }
0x8: {  	_ =	strace $0x80000047;
	[dreg:$0x14] =	wrdreg s30;
	s6 =	sadd.s32 s6, s8  }
0x9: {  	s0 =	sadd.s32 s5, s0;
	[dreg:$0x15] =	wrdreg s31;
	s11 =	sshrl.u32 s6, $0x3  }
0xa: {  	[dreg:$0x4] =	wrdreg s0;
	s6 =	sadd.s32 s7, s11  }
0xb: {  	s12 =	sadd.s32 $0x1800, s6;
	[dreg:$0x16] =	wrdreg s6  }
0xc: {  	s13 =	sadd.s32 $0x3000, s6;
	[dreg:$0x5] =	wrdreg s12  }
0xd: {  	s14 =	sadd.s32 $0x4800, s6;
	[dreg:$0x6] =	wrdreg s13  }
0xe: {  	s15 =	sadd.s32 $0x6000, s6;
	[dreg:$0x7] =	wrdreg s14  }
0xf: {  	s16 =	sadd.s32 $0x7800, s6;
	[dreg:$0x8] =	wrdreg s15  }
0x10: {  	s29 =	simm.s32 $0x400;
	s17 =	sadd.s32 $0x9000, s6;
	[dreg:$0x9] =	wrdreg s16  }
0x11: {  	s10 =	simm.s32 $0x2;
	s18 =	sadd.s32 $0xA800, s6;
	[dreg:$0xa] =	wrdreg s17  }
0x12: {  	s1 =	ssub.s32 $0x2, s1;
	s19 =	sadd.s32 $0xC000, s6;
	[dreg:$0xb] =	wrdreg s18  }
0x13: {  	s4 =	simm.s32 $0xC400;
	s20 =	sadd.s32 $0xD800, s6;
	[dreg:$0xc] =	wrdreg s19  }
0x14: {  	s24 =	sshrl.u32 s1, $0x1;
	s21 =	sadd.s32 $0xF000, s6;
	[dreg:$0xd] =	wrdreg s20  }
0x15: {  	s1 =	ssub.s32 s1, s24;
	s22 =	sadd.s32 $0x10800, s6;
	[dreg:$0xe] =	wrdreg s21  }
0x16: {  	s5 =	sadd.s32 $0x100, s2;
	s23 =	sadd.s32 $0x12000, s6;
	[dreg:$0xf] =	wrdreg s22  }
0x17: {  	s1 =	smax.u32 s1, $0x1;
	s25 =	sadd.s32 $0x13800, s6;
	[dreg:$0x10] =	wrdreg s23  }
0x18: {  	v2 =	vlaneseq.u32;
	s0 =	simm.s32 $0x1;
	s26 =	sadd.s32 $0x15000, s6;
	[dreg:$0x11] =	wrdreg s25  }
0x19: {  	vm0 =	vmmov $0xffff;
	v1 =	vshrl.u32 v2, $0x3;
	s8 =	simm.s32 $0x3;
	s28 =	sadd.s32 $0x16800, s6;
	[dreg:$0x12] =	wrdreg s26  }
0x1a: {  	v0 =	vand.u32 $0x7, v2;
	v2 =	vor.u32 $0x8, v2;
	v1 =	vmul.u32 $0x8, v1;
	s11 =	simm.s32 $0x4;
	s6 =	sadd.s32 $0x200, s2;
	[dreg:$0x13] =	wrdreg s28  }
.LBB2_1:
0x1b: {  	[dreg:$0x17] =	wrdreg s1  }
0x1c: {  	s12 =	rddreg [dreg:$0x4]  }
0x1d: {  	s13 =	rddreg [dreg:$0x14]  }
0x1e: {  	s14 =	rddreg [dreg:$0x15];
	s26 =	simm.s32 $0x5  }
0x1f: {  	[tilespmem:s3], [sflag:$0x5] =	stream.strided.gather [hbm4b:s12+s13], $0x400, s14, s13, $0x38;
	[tilespmem:$0x18400] =	vst v63  }
0x20: {  	_ =	swait.ge [sflag:s26], $0x400  }
0x21: {  	[sflag:s26] =	ssyncset.done $0x0  }
0x22: {  	[sflag:s26] =	ssyncadd.s32 $0xFFFFFC00  }
0x23: {  	v3 =	vld [tilespmem:$0x0];
	_ =	sdelay $0x4  }
0x24: {  	v4 =	vshrl.u32 v3, $0x3  }
0x25: {  	v4 =	vmul.u32 $0x30, v4  }
0x26: {  	v3 =	vand.u32 $0x7, v3  }
0x27: {  	v3 =	vor.u32 v3, v4  }
0x28: {  	v4 =	vperm.xlane v3, v0;
	_ =	sdelay $0x1  }
0x29: {  	v4 =	vadd.s32 v1, v4;
	_ =	sdelay $0x3  }
0x2a: {  	v3 =	vperm.xlane v3, v2  }
0x2b: {  	[tilespmem:s29], [sflag:$0x1] =	stream.indirect_vreg.gather [hbm4b:s2+s3], $0x80, v4, vm0, $0xb8;
	[tilespmem:$0x18400] =	vst v63  }
0x2c: {  	s28 =	simm.s32 $0xC00;
	v3 =	vadd.s32 v1, v3  }
0x2d: {  	[tilespmem:s28], [sflag:$0x1] =	stream.indirect_vreg.gather [hbm4b:s5+s3], $0x80, v4, vm0, $0xb8;
	[tilespmem:$0x18400] =	vst v63  }
0x2e: {  	s30 =	simm.s32 $0x1400  }
0x2f: {  	[tilespmem:s30], [sflag:$0x1] =	stream.indirect_vreg.gather [hbm4b:s6+s3], $0x80, v4, vm0, $0xb8;
	[tilespmem:$0x18400] =	vst v63  }
0x30: {  	s31 =	simm.s32 $0x1C00  }
0x31: {  	[tilespmem:s31], [sflag:$0x1] =	stream.indirect_vreg.gather [hbm4b:s2+s3], $0x80, v3, vm0, $0xb8;
	[tilespmem:$0x18400] =	vst v63  }
0x32: {  	s7 =	simm.s32 $0x2400  }
0x33: {  	[tilespmem:s7], [sflag:$0x1] =	stream.indirect_vreg.gather [hbm4b:s5+s3], $0x80, v3, vm0, $0xb8;
	[tilespmem:$0x18400] =	vst v63  }
0x34: {  	s9 =	simm.s32 $0x2C00  }
0x35: {  	[tilespmem:s9], [sflag:$0x1] =	stream.indirect_vreg.gather [hbm4b:s6+s3], $0x80, v3, vm0, $0xb8;
	[tilespmem:$0x18400] =	vst v63  }
0x36: {  	v3 =	vld [tilespmem:$0x10];
	_ =	sdelay $0x4  }
0x37: {  	v57 =	vshrl.u32 v3, $0x3  }
0x38: {  	v4 =	vmul.u32 $0x30, v57  }
0x39: {  	v3 =	vand.u32 $0x7, v3  }
0x3a: {  	v3 =	vor.u32 v3, v4  }
0x3b: {  	v4 =	vperm.xlane v3, v0;
	_ =	sdelay $0x1  }
0x3c: {  	v4 =	vadd.s32 v1, v4;
	_ =	sdelay $0x3  }
0x3d: {  	s12 =	simm.s32 $0x3400;
	v3 =	vperm.xlane v3, v2  }
0x3e: {  	[tilespmem:s12], [sflag:$0x1] =	stream.indirect_vreg.gather [hbm4b:s2+s3], $0x80, v4, vm0, $0xb8;
	[tilespmem:$0x18400] =	vst v63  }
0x3f: {  	s13 =	simm.s32 $0x3C00;
	v3 =	vadd.s32 v1, v3  }
0x40: {  	[tilespmem:s13], [sflag:$0x1] =	stream.indirect_vreg.gather [hbm4b:s5+s3], $0x80, v4, vm0, $0xb8;
	[tilespmem:$0x18400] =	vst v63  }
0x41: {  	s14 =	simm.s32 $0x4400  }
0x42: {  	[tilespmem:s14], [sflag:$0x1] =	stream.indirect_vreg.gather [hbm4b:s6+s3], $0x80, v4, vm0, $0xb8;
	[tilespmem:$0x18400] =	vst v63  }
0x43: {  	s15 =	simm.s32 $0x4C00  }
0x44: {  	[tilespmem:s15], [sflag:$0x1] =	stream.indirect_vreg.gather [hbm4b:s2+s3], $0x80, v3, vm0, $0xb8;
	[tilespmem:$0x18400] =	vst v63  }
0x45: {  	s16 =	simm.s32 $0x5400  }
0x46: {  	[tilespmem:s16], [sflag:$0x1] =	stream.indirect_vreg.gather [hbm4b:s5+s3], $0x80, v3, vm0, $0xb8;
	[tilespmem:$0x18400] =	vst v63  }
0x47: {  	s18 =	simm.s32 $0x5C00  }
0x48: {  	[tilespmem:s18], [sflag:$0x1] =	stream.indirect_vreg.gather [hbm4b:s6+s3], $0x80, v3, vm0, $0xb8;
	[tilespmem:$0x18400] =	vst v63  }
0x49: {  	v3 =	vld [tilespmem:$0x20];
	_ =	sdelay $0x4  }
0x4a: {  	v58 =	vshrl.u32 v3, $0x3  }
0x4b: {  	v4 =	vmul.u32 $0x30, v58  }
0x4c: {  	v3 =	vand.u32 $0x7, v3  }
0x4d: {  	v3 =	vor.u32 v3, v4  }
0x4e: {  	v4 =	vperm.xlane v3, v0;
	_ =	sdelay $0x1  }
0x4f: {  	v4 =	vadd.s32 v1, v4;
	_ =	sdelay $0x3  }
0x50: {  	s19 =	simm.s32 $0x6400;
	v3 =	vperm.xlane v3, v2  }
0x51: {  	[tilespmem:s19], [sflag:$0x1] =	stream.indirect_vreg.gather [hbm4b:s2+s3], $0x80, v4, vm0, $0xb8;
	[tilespmem:$0x18400] =	vst v63  }
0x52: {  	s20 =	simm.s32 $0x6C00;
	v3 =	vadd.s32 v1, v3  }
0x53: {  	[tilespmem:s20], [sflag:$0x1] =	stream.indirect_vreg.gather [hbm4b:s5+s3], $0x80, v4, vm0, $0xb8;
	[tilespmem:$0x18400] =	vst v63  }
0x54: {  	s23 =	simm.s32 $0x7400  }
0x55: {  	[tilespmem:s23], [sflag:$0x1] =	stream.indirect_vreg.gather [hbm4b:s6+s3], $0x80, v4, vm0, $0xb8;
	[tilespmem:$0x18400] =	vst v63  }
0x56: {  	s24 =	simm.s32 $0x7C00  }
0x57: {  	[tilespmem:s24], [sflag:$0x1] =	stream.indirect_vreg.gather [hbm4b:s2+s3], $0x80, v3, vm0, $0xb8;
	[tilespmem:$0x18400] =	vst v63  }
0x58: {  	s25 =	simm.s32 $0x8400  }
0x59: {  	[tilespmem:s25], [sflag:$0x1] =	stream.indirect_vreg.gather [hbm4b:s5+s3], $0x80, v3, vm0, $0xb8;
	[tilespmem:$0x18400] =	vst v63  }
0x5a: {  	s26 =	simm.s32 $0x8C00  }
0x5b: {  	[tilespmem:s26], [sflag:$0x1] =	stream.indirect_vreg.gather [hbm4b:s6+s3], $0x80, v3, vm0, $0xb8;
	[tilespmem:$0x18400] =	vst v63  }
0x5c: {  	v3 =	vld [tilespmem:$0x30];
	_ =	sdelay $0x4  }
0x5d: {  	v59 =	vshrl.u32 v3, $0x3  }
0x5e: {  	v4 =	vmul.u32 $0x30, v59  }
0x5f: {  	v3 =	vand.u32 $0x7, v3  }
0x60: {  	v3 =	vor.u32 v3, v4  }
0x61: {  	v4 =	vperm.xlane v3, v0;
	_ =	sdelay $0x1  }
0x62: {  	v4 =	vadd.s32 v1, v4;
	_ =	sdelay $0x3  }
0x63: {  	s28 =	simm.s32 $0x9400;
	v3 =	vperm.xlane v3, v2  }
0x64: {  	[tilespmem:s28], [sflag:$0x1] =	stream.indirect_vreg.gather [hbm4b:s2+s3], $0x80, v4, vm0, $0xb8;
	[tilespmem:$0x18400] =	vst v63  }
0x65: {  	s30 =	simm.s32 $0x9C00;
	v3 =	vadd.s32 v1, v3  }
0x66: {  	[tilespmem:s30], [sflag:$0x1] =	stream.indirect_vreg.gather [hbm4b:s5+s3], $0x80, v4, vm0, $0xb8;
	[tilespmem:$0x18400] =	vst v63  }
0x67: {  	s31 =	simm.s32 $0xA400  }
0x68: {  	[tilespmem:s31], [sflag:$0x1] =	stream.indirect_vreg.gather [hbm4b:s6+s3], $0x80, v4, vm0, $0xb8;
	[tilespmem:$0x18400] =	vst v63  }
0x69: {  	s9 =	simm.s32 $0xAC00  }
0x6a: {  	[tilespmem:s9], [sflag:$0x1] =	stream.indirect_vreg.gather [hbm4b:s2+s3], $0x80, v3, vm0, $0xb8;
	[tilespmem:$0x18400] =	vst v63  }
0x6b: {  	s12 =	simm.s32 $0xB400  }
0x6c: {  	[tilespmem:s12], [sflag:$0x1] =	stream.indirect_vreg.gather [hbm4b:s5+s3], $0x80, v3, vm0, $0xb8;
	[tilespmem:$0x18400] =	vst v63  }
0x6d: {  	s13 =	simm.s32 $0xBC00  }
0x6e: {  	[tilespmem:s13], [sflag:$0x1] =	stream.indirect_vreg.gather [hbm4b:s6+s3], $0x80, v3, vm0, $0xb8;
	[tilespmem:$0x18400] =	vst v63  }
0x6f: {  	v3 =	vld [tilespmem:$0x40];
	_ =	sdelay $0x4  }
0x70: {  	v60 =	vshrl.u32 v3, $0x3  }
0x71: {  	v4 =	vmul.u32 $0x30, v60  }
0x72: {  	v3 =	vand.u32 $0x7, v3  }
0x73: {  	v3 =	vor.u32 v3, v4  }
0x74: {  	v4 =	vperm.xlane v3, v0;
	_ =	sdelay $0x1  }
0x75: {  	v4 =	vadd.s32 v1, v4;
	_ =	sdelay $0x3  }
0x76: {  	v3 =	vperm.xlane v3, v2  }
0x77: {  	[tilespmem:s4], [sflag:$0x2] =	stream.indirect_vreg.gather [hbm4b:s2+s3], $0x80, v4, vm0, $0xb8;
	[tilespmem:$0x18400] =	vst v63  }
0x78: {  	s14 =	simm.s32 $0xCC00;
	v3 =	vadd.s32 v1, v3  }
0x79: {  	[tilespmem:s14], [sflag:$0x2] =	stream.indirect_vreg.gather [hbm4b:s5+s3], $0x80, v4, vm0, $0xb8;
	[tilespmem:$0x18400] =	vst v63  }
0x7a: {  	s15 =	simm.s32 $0xD400  }
0x7b: {  	[tilespmem:s15], [sflag:$0x2] =	stream.indirect_vreg.gather [hbm4b:s6+s3], $0x80, v4, vm0, $0xb8;
	[tilespmem:$0x18400] =	vst v63  }
0x7c: {  	s16 =	simm.s32 $0xDC00  }
0x7d: {  	[tilespmem:s16], [sflag:$0x2] =	stream.indirect_vreg.gather [hbm4b:s2+s3], $0x80, v3, vm0, $0xb8;
	[tilespmem:$0x18400] =	vst v63  }
0x7e: {  	s18 =	simm.s32 $0xE400  }
0x7f: {  	[tilespmem:s18], [sflag:$0x2] =	stream.indirect_vreg.gather [hbm4b:s5+s3], $0x80, v3, vm0, $0xb8;
	[tilespmem:$0x18400] =	vst v63  }
0x80: {  	s19 =	simm.s32 $0xEC00  }
0x81: {  	[tilespmem:s19], [sflag:$0x2] =	stream.indirect_vreg.gather [hbm4b:s6+s3], $0x80, v3, vm0, $0xb8;
	[tilespmem:$0x18400] =	vst v63  }
0x82: {  	v3 =	vld [tilespmem:$0x50];
	_ =	sdelay $0x4  }
0x83: {  	v61 =	vshrl.u32 v3, $0x3  }
0x84: {  	v4 =	vmul.u32 $0x30, v61  }
0x85: {  	v3 =	vand.u32 $0x7, v3  }
0x86: {  	v3 =	vor.u32 v3, v4  }
0x87: {  	v4 =	vperm.xlane v3, v0;
	_ =	sdelay $0x1  }
0x88: {  	v4 =	vadd.s32 v1, v4;
	_ =	sdelay $0x3  }
0x89: {  	s20 =	simm.s32 $0xF400;
	v3 =	vperm.xlane v3, v2  }
0x8a: {  	[tilespmem:s20], [sflag:$0x2] =	stream.indirect_vreg.gather [hbm4b:s2+s3], $0x80, v4, vm0, $0xb8;
	[tilespmem:$0x18400] =	vst v63  }
0x8b: {  	s23 =	simm.s32 $0xFC00;
	v3 =	vadd.s32 v1, v3  }
0x8c: {  	[tilespmem:s23], [sflag:$0x2] =	stream.indirect_vreg.gather [hbm4b:s5+s3], $0x80, v4, vm0, $0xb8;
	[tilespmem:$0x18400] =	vst v63  }
0x8d: {  	s24 =	simm.s32 $0x10400  }
0x8e: {  	[tilespmem:s24], [sflag:$0x2] =	stream.indirect_vreg.gather [hbm4b:s6+s3], $0x80, v4, vm0, $0xb8;
	[tilespmem:$0x18400] =	vst v63  }
0x8f: {  	s28 =	simm.s32 $0x10C00  }
0x90: {  	[tilespmem:s28], [sflag:$0x2] =	stream.indirect_vreg.gather [hbm4b:s2+s3], $0x80, v3, vm0, $0xb8;
	[tilespmem:$0x18400] =	vst v63  }
0x91: {  	s30 =	simm.s32 $0x11400  }
0x92: {  	[tilespmem:s30], [sflag:$0x2] =	stream.indirect_vreg.gather [hbm4b:s5+s3], $0x80, v3, vm0, $0xb8;
	[tilespmem:$0x18400] =	vst v63  }
0x93: {  	s31 =	simm.s32 $0x11C00  }
0x94: {  	[tilespmem:s31], [sflag:$0x2] =	stream.indirect_vreg.gather [hbm4b:s6+s3], $0x80, v3, vm0, $0xb8;
	[tilespmem:$0x18400] =	vst v63  }
0x95: {  	v3 =	vld [tilespmem:$0x60];
	_ =	sdelay $0x4  }
0x96: {  	v62 =	vshrl.u32 v3, $0x3  }
0x97: {  	v4 =	vmul.u32 $0x30, v62  }
0x98: {  	v3 =	vand.u32 $0x7, v3  }
0x99: {  	v3 =	vor.u32 v3, v4  }
0x9a: {  	v4 =	vperm.xlane v3, v0;
	_ =	sdelay $0x1  }
0x9b: {  	v4 =	vadd.s32 v1, v4;
	_ =	sdelay $0x3  }
0x9c: {  	s1 =	simm.s32 $0x12400;
	v3 =	vperm.xlane v3, v2  }
0x9d: {  	[tilespmem:s1], [sflag:$0x2] =	stream.indirect_vreg.gather [hbm4b:s2+s3], $0x80, v4, vm0, $0xb8;
	[tilespmem:$0x18400] =	vst v63  }
0x9e: {  	s9 =	simm.s32 $0x12C00;
	v3 =	vadd.s32 v1, v3  }
0x9f: {  	[tilespmem:s9], [sflag:$0x2] =	stream.indirect_vreg.gather [hbm4b:s5+s3], $0x80, v4, vm0, $0xb8;
	[tilespmem:$0x18400] =	vst v63  }
0xa0: {  	s14 =	simm.s32 $0x13400  }
0xa1: {  	[tilespmem:s14], [sflag:$0x2] =	stream.indirect_vreg.gather [hbm4b:s6+s3], $0x80, v4, vm0, $0xb8;
	[tilespmem:$0x18400] =	vst v63  }
0xa2: {  	s15 =	simm.s32 $0x13C00  }
0xa3: {  	[tilespmem:s15], [sflag:$0x2] =	stream.indirect_vreg.gather [hbm4b:s2+s3], $0x80, v3, vm0, $0xb8;
	[tilespmem:$0x18400] =	vst v63  }
0xa4: {  	s16 =	simm.s32 $0x14400  }
0xa5: {  	[tilespmem:s16], [sflag:$0x2] =	stream.indirect_vreg.gather [hbm4b:s5+s3], $0x80, v3, vm0, $0xb8;
	[tilespmem:$0x18400] =	vst v63  }
0xa6: {  	s18 =	simm.s32 $0x14C00  }
0xa7: {  	[tilespmem:s18], [sflag:$0x2] =	stream.indirect_vreg.gather [hbm4b:s6+s3], $0x80, v3, vm0, $0xb8;
	[tilespmem:$0x18400] =	vst v63  }
0xa8: {  	v3 =	vld [tilespmem:$0x70];
	_ =	sdelay $0x4  }
0xa9: {  	v63 =	vshrl.u32 v3, $0x3  }
0xaa: {  	v4 =	vmul.u32 $0x30, v63  }
0xab: {  	v3 =	vand.u32 $0x7, v3  }
0xac: {  	v3 =	vor.u32 v3, v4  }
0xad: {  	v4 =	vperm.xlane v3, v0;
	_ =	sdelay $0x1  }
0xae: {  	v4 =	vadd.s32 v1, v4;
	_ =	sdelay $0x3  }
0xaf: {  	s19 =	simm.s32 $0x15400;
	v3 =	vperm.xlane v3, v2  }
0xb0: {  	[tilespmem:s19], [sflag:$0x2] =	stream.indirect_vreg.gather [hbm4b:s2+s3], $0x80, v4, vm0, $0xb8;
	[tilespmem:$0x18400] =	vst v63  }
0xb1: {  	s20 =	simm.s32 $0x15C00;
	v3 =	vadd.s32 v1, v3  }
0xb2: {  	[tilespmem:s20], [sflag:$0x2] =	stream.indirect_vreg.gather [hbm4b:s5+s3], $0x80, v4, vm0, $0xb8;
	[tilespmem:$0x18400] =	vst v63  }
0xb3: {  	s23 =	simm.s32 $0x16400  }
0xb4: {  	[tilespmem:s23], [sflag:$0x2] =	stream.indirect_vreg.gather [hbm4b:s6+s3], $0x80, v4, vm0, $0xb8;
	[tilespmem:$0x18400] =	vst v63  }
0xb5: {  	s24 =	simm.s32 $0x16C00  }
0xb6: {  	[tilespmem:s24], [sflag:$0x2] =	stream.indirect_vreg.gather [hbm4b:s2+s3], $0x80, v3, vm0, $0xb8;
	[tilespmem:$0x18400] =	vst v63  }
0xb7: {  	s28 =	simm.s32 $0x17400  }
0xb8: {  	[tilespmem:s28], [sflag:$0x2] =	stream.indirect_vreg.gather [hbm4b:s5+s3], $0x80, v3, vm0, $0xb8;
	[tilespmem:$0x18400] =	vst v63  }
0xb9: {  	s1 =	simm.s32 $0x17C00  }
0xba: {  	[tilespmem:s1], [sflag:$0x2] =	stream.indirect_vreg.gather [hbm4b:s6+s3], $0x80, v3, vm0, $0xb8;
	[tilespmem:$0x18400] =	vst v63  }
0xbb: {  	_ =	swait.ge [sflag:s0], $0xC000  }
0xbc: {  	[sflag:s0] =	ssyncset.done $0x0  }
0xbd: {  	s9 =	rddreg [dreg:$0x16];
	[sflag:s0] =	ssyncadd.s32 $0xFFFF4000  }
0xbe: {  	[hbm4b:s9+s3] =	stream.linear.scatter [tilespmem:s29], [sflag:$0x3], $0xC000, $0x38;
	[tilespmem:$0x18400] =	vst v63  }
0xbf: {  	_ =	swait.ge [sflag:s8], $0xC000  }
0xc0: {  	[sflag:s8] =	ssyncset.done $0x0  }
0xc1: {  	[sflag:s8] =	ssyncadd.s32 $0xFFFF4000  }
0xc2: {  	v3 =	vld [tilespmem:$0x80];
	_ =	sdelay $0x4  }
0xc3: {  	v8 =	vshrl.u32 v3, $0x3  }
0xc4: {  	v4 =	vmul.u32 $0x30, v8  }
0xc5: {  	v3 =	vand.u32 $0x7, v3  }
0xc6: {  	v3 =	vor.u32 v3, v4  }
0xc7: {  	v4 =	vperm.xlane v3, v0;
	_ =	sdelay $0x1  }
0xc8: {  	v4 =	vadd.s32 v1, v4;
	_ =	sdelay $0x3  }
0xc9: {  	v3 =	vperm.xlane v3, v2  }
0xca: {  	[tilespmem:s29], [sflag:$0x1] =	stream.indirect_vreg.gather [hbm4b:s2+s3], $0x80, v4, vm0, $0xb8;
	[tilespmem:$0x18400] =	vst v63  }
0xcb: {  	s1 =	simm.s32 $0xC00;
	v3 =	vadd.s32 v1, v3  }
0xcc: {  	[tilespmem:s1], [sflag:$0x1] =	stream.indirect_vreg.gather [hbm4b:s5+s3], $0x80, v4, vm0, $0xb8;
	[tilespmem:$0x18400] =	vst v63  }
0xcd: {  	s9 =	simm.s32 $0x1400  }
0xce: {  	[tilespmem:s9], [sflag:$0x1] =	stream.indirect_vreg.gather [hbm4b:s6+s3], $0x80, v4, vm0, $0xb8;
	[tilespmem:$0x18400] =	vst v63  }
0xcf: {  	s15 =	simm.s32 $0x1C00  }
0xd0: {  	[tilespmem:s15], [sflag:$0x1] =	stream.indirect_vreg.gather [hbm4b:s2+s3], $0x80, v3, vm0, $0xb8;
	[tilespmem:$0x18400] =	vst v63  }
0xd1: {  	s16 =	simm.s32 $0x2400  }
0xd2: {  	[tilespmem:s16], [sflag:$0x1] =	stream.indirect_vreg.gather [hbm4b:s5+s3], $0x80, v3, vm0, $0xb8;
	[tilespmem:$0x18400] =	vst v63  }
0xd3: {  	s7 =	simm.s32 $0x2C00  }
0xd4: {  	[tilespmem:s7], [sflag:$0x1] =	stream.indirect_vreg.gather [hbm4b:s6+s3], $0x80, v3, vm0, $0xb8;
	[tilespmem:$0x18400] =	vst v63  }
0xd5: {  	v3 =	vld [tilespmem:$0x90];
	_ =	sdelay $0x4  }
0xd6: {  	v9 =	vshrl.u32 v3, $0x3  }
0xd7: {  	v4 =	vmul.u32 $0x30, v9  }
0xd8: {  	v3 =	vand.u32 $0x7, v3  }
0xd9: {  	v3 =	vor.u32 v3, v4  }
0xda: {  	v4 =	vperm.xlane v3, v0;
	_ =	sdelay $0x1  }
0xdb: {  	v4 =	vadd.s32 v1, v4;
	_ =	sdelay $0x3  }
0xdc: {  	s17 =	simm.s32 $0x3400;
	v3 =	vperm.xlane v3, v2  }
0xdd: {  	[tilespmem:s17], [sflag:$0x1] =	stream.indirect_vreg.gather [hbm4b:s2+s3], $0x80, v4, vm0, $0xb8;
	[tilespmem:$0x18400] =	vst v63  }
0xde: {  	v3 =	vadd.s32 v1, v3;
	s17 =	simm.s32 $0x3C00  }
0xdf: {  	[tilespmem:s17], [sflag:$0x1] =	stream.indirect_vreg.gather [hbm4b:s5+s3], $0x80, v4, vm0, $0xb8;
	[tilespmem:$0x18400] =	vst v63  }
0xe0: {  	s18 =	simm.s32 $0x4400  }
0xe1: {  	[tilespmem:s18], [sflag:$0x1] =	stream.indirect_vreg.gather [hbm4b:s6+s3], $0x80, v4, vm0, $0xb8;
	[tilespmem:$0x18400] =	vst v63  }
0xe2: {  	s19 =	simm.s32 $0x4C00  }
0xe3: {  	[tilespmem:s19], [sflag:$0x1] =	stream.indirect_vreg.gather [hbm4b:s2+s3], $0x80, v3, vm0, $0xb8;
	[tilespmem:$0x18400] =	vst v63  }
0xe4: {  	s20 =	simm.s32 $0x5400  }
0xe5: {  	[tilespmem:s20], [sflag:$0x1] =	stream.indirect_vreg.gather [hbm4b:s5+s3], $0x80, v3, vm0, $0xb8;
	[tilespmem:$0x18400] =	vst v63  }
0xe6: {  	s21 =	simm.s32 $0x5C00  }
0xe7: {  	[tilespmem:s21], [sflag:$0x1] =	stream.indirect_vreg.gather [hbm4b:s6+s3], $0x80, v3, vm0, $0xb8;
	[tilespmem:$0x18400] =	vst v63  }
0xe8: {  	v3 =	vld [tilespmem:$0xA0];
	_ =	sdelay $0x4  }
0xe9: {  	v10 =	vshrl.u32 v3, $0x3  }
0xea: {  	v4 =	vmul.u32 $0x30, v10  }
0xeb: {  	v3 =	vand.u32 $0x7, v3  }
0xec: {  	v3 =	vor.u32 v3, v4  }
0xed: {  	v4 =	vperm.xlane v3, v0;
	_ =	sdelay $0x1  }
0xee: {  	v4 =	vadd.s32 v1, v4;
	_ =	sdelay $0x3  }
0xef: {  	s22 =	simm.s32 $0x6400;
	v3 =	vperm.xlane v3, v2  }
0xf0: {  	[tilespmem:s22], [sflag:$0x1] =	stream.indirect_vreg.gather [hbm4b:s2+s3], $0x80, v4, vm0, $0xb8;
	[tilespmem:$0x18400] =	vst v63  }
0xf1: {  	s21 =	simm.s32 $0x6C00;
	v3 =	vadd.s32 v1, v3  }
0xf2: {  	[tilespmem:s21], [sflag:$0x1] =	stream.indirect_vreg.gather [hbm4b:s5+s3], $0x80, v4, vm0, $0xb8;
	[tilespmem:$0x18400] =	vst v63  }
0xf3: {  	s22 =	simm.s32 $0x7400  }
0xf4: {  	[tilespmem:s22], [sflag:$0x1] =	stream.indirect_vreg.gather [hbm4b:s6+s3], $0x80, v4, vm0, $0xb8;
	[tilespmem:$0x18400] =	vst v63  }
0xf5: {  	s23 =	simm.s32 $0x7C00  }
0xf6: {  	[tilespmem:s23], [sflag:$0x1] =	stream.indirect_vreg.gather [hbm4b:s2+s3], $0x80, v3, vm0, $0xb8;
	[tilespmem:$0x18400] =	vst v63  }
0xf7: {  	s24 =	simm.s32 $0x8400  }
0xf8: {  	[tilespmem:s24], [sflag:$0x1] =	stream.indirect_vreg.gather [hbm4b:s5+s3], $0x80, v3, vm0, $0xb8;
	[tilespmem:$0x18400] =	vst v63  }
0xf9: {  	s25 =	simm.s32 $0x8C00  }
0xfa: {  	[tilespmem:s25], [sflag:$0x1] =	stream.indirect_vreg.gather [hbm4b:s6+s3], $0x80, v3, vm0, $0xb8;
	[tilespmem:$0x18400] =	vst v63  }
0xfb: {  	v3 =	vld [tilespmem:$0xB0];
	_ =	sdelay $0x4  }
0xfc: {  	v11 =	vshrl.u32 v3, $0x3  }
0xfd: {  	v4 =	vmul.u32 $0x30, v11  }
0xfe: {  	v3 =	vand.u32 $0x7, v3  }
0xff: {  	v3 =	vor.u32 v3, v4  }
0x100: {  	v4 =	vperm.xlane v3, v0;
	_ =	sdelay $0x1  }
0x101: {  	v4 =	vadd.s32 v1, v4;
	_ =	sdelay $0x3  }
0x102: {  	s26 =	simm.s32 $0x9400;
	v3 =	vperm.xlane v3, v2  }
0x103: {  	[tilespmem:s26], [sflag:$0x1] =	stream.indirect_vreg.gather [hbm4b:s2+s3], $0x80, v4, vm0, $0xb8;
	[tilespmem:$0x18400] =	vst v63  }
0x104: {  	s25 =	simm.s32 $0x9C00;
	v3 =	vadd.s32 v1, v3  }
0x105: {  	[tilespmem:s25], [sflag:$0x1] =	stream.indirect_vreg.gather [hbm4b:s5+s3], $0x80, v4, vm0, $0xb8;
	[tilespmem:$0x18400] =	vst v63  }
0x106: {  	s26 =	simm.s32 $0xA400  }
0x107: {  	[tilespmem:s26], [sflag:$0x1] =	stream.indirect_vreg.gather [hbm4b:s6+s3], $0x80, v4, vm0, $0xb8;
	[tilespmem:$0x18400] =	vst v63  }
0x108: {  	s7 =	simm.s32 $0xAC00  }
0x109: {  	[tilespmem:s7], [sflag:$0x1] =	stream.indirect_vreg.gather [hbm4b:s2+s3], $0x80, v3, vm0, $0xb8;
	[tilespmem:$0x18400] =	vst v63  }
0x10a: {  	s28 =	simm.s32 $0xB400  }
0x10b: {  	[tilespmem:s28], [sflag:$0x1] =	stream.indirect_vreg.gather [hbm4b:s5+s3], $0x80, v3, vm0, $0xb8;
	[tilespmem:$0x18400] =	vst v63  }
0x10c: {  	s13 =	simm.s32 $0xBC00  }
0x10d: {  	[tilespmem:s13], [sflag:$0x1] =	stream.indirect_vreg.gather [hbm4b:s6+s3], $0x80, v3, vm0, $0xb8;
	[tilespmem:$0x18400] =	vst v63  }
0x10e: {  	_ =	swait.ge [sflag:s10], $0xC000  }
0x10f: {  	[sflag:s10] =	ssyncset.done $0x0  }
0x110: {  	s13 =	rddreg [dreg:$0x5];
	[sflag:s10] =	ssyncadd.s32 $0xFFFF4000  }
0x111: {  	[hbm4b:s13+s3] =	stream.linear.scatter [tilespmem:s4], [sflag:$0x4], $0xC000, $0x38;
	[tilespmem:$0x18400] =	vst v63  }
0x112: {  	_ =	swait.ge [sflag:s11], $0xC000  }
0x113: {  	[sflag:s11] =	ssyncset.done $0x0  }
0x114: {  	[sflag:s11] =	ssyncadd.s32 $0xFFFF4000  }
0x115: {  	v3 =	vld [tilespmem:$0xC0];
	_ =	sdelay $0x4  }
0x116: {  	v12 =	vshrl.u32 v3, $0x3  }
0x117: {  	v4 =	vmul.u32 $0x30, v12  }
0x118: {  	v3 =	vand.u32 $0x7, v3  }
0x119: {  	v3 =	vor.u32 v3, v4  }
0x11a: {  	v4 =	vperm.xlane v3, v0;
	_ =	sdelay $0x1  }
0x11b: {  	v4 =	vadd.s32 v1, v4;
	_ =	sdelay $0x3  }
0x11c: {  	v3 =	vperm.xlane v3, v2  }
0x11d: {  	[tilespmem:s4], [sflag:$0x2] =	stream.indirect_vreg.gather [hbm4b:s2+s3], $0x80, v4, vm0, $0xb8;
	[tilespmem:$0x18400] =	vst v63  }
0x11e: {  	s13 =	simm.s32 $0xCC00;
	v3 =	vadd.s32 v1, v3  }
0x11f: {  	[tilespmem:s13], [sflag:$0x2] =	stream.indirect_vreg.gather [hbm4b:s5+s3], $0x80, v4, vm0, $0xb8;
	[tilespmem:$0x18400] =	vst v63  }
0x120: {  	s12 =	simm.s32 $0xD400  }
0x121: {  	[tilespmem:s12], [sflag:$0x2] =	stream.indirect_vreg.gather [hbm4b:s6+s3], $0x80, v4, vm0, $0xb8;
	[tilespmem:$0x18400] =	vst v63  }
0x122: {  	s12 =	simm.s32 $0xDC00  }
0x123: {  	[tilespmem:s12], [sflag:$0x2] =	stream.indirect_vreg.gather [hbm4b:s2+s3], $0x80, v3, vm0, $0xb8;
	[tilespmem:$0x18400] =	vst v63  }
0x124: {  	s12 =	simm.s32 $0xE400  }
0x125: {  	[tilespmem:s12], [sflag:$0x2] =	stream.indirect_vreg.gather [hbm4b:s5+s3], $0x80, v3, vm0, $0xb8;
	[tilespmem:$0x18400] =	vst v63  }
0x126: {  	s12 =	simm.s32 $0xEC00  }
0x127: {  	[tilespmem:s12], [sflag:$0x2] =	stream.indirect_vreg.gather [hbm4b:s6+s3], $0x80, v3, vm0, $0xb8;
	[tilespmem:$0x18400] =	vst v63  }
0x128: {  	v3 =	vld [tilespmem:$0xD0];
	_ =	sdelay $0x4  }
0x129: {  	v13 =	vshrl.u32 v3, $0x3  }
0x12a: {  	v4 =	vmul.u32 $0x30, v13  }
0x12b: {  	v3 =	vand.u32 $0x7, v3  }
0x12c: {  	v3 =	vor.u32 v3, v4  }
0x12d: {  	v4 =	vperm.xlane v3, v0;
	_ =	sdelay $0x1  }
0x12e: {  	v4 =	vadd.s32 v1, v4;
	_ =	sdelay $0x3  }
0x12f: {  	s12 =	simm.s32 $0xF400;
	v3 =	vperm.xlane v3, v2  }
0x130: {  	[tilespmem:s12], [sflag:$0x2] =	stream.indirect_vreg.gather [hbm4b:s2+s3], $0x80, v4, vm0, $0xb8;
	[tilespmem:$0x18400] =	vst v63  }
0x131: {  	v3 =	vadd.s32 v1, v3;
	s12 =	simm.s32 $0xFC00  }
0x132: {  	[tilespmem:s12], [sflag:$0x2] =	stream.indirect_vreg.gather [hbm4b:s5+s3], $0x80, v4, vm0, $0xb8;
	[tilespmem:$0x18400] =	vst v63  }
0x133: {  	s12 =	simm.s32 $0x10400  }
0x134: {  	[tilespmem:s12], [sflag:$0x2] =	stream.indirect_vreg.gather [hbm4b:s6+s3], $0x80, v4, vm0, $0xb8;
	[tilespmem:$0x18400] =	vst v63  }
0x135: {  	s12 =	simm.s32 $0x10C00  }
0x136: {  	[tilespmem:s12], [sflag:$0x2] =	stream.indirect_vreg.gather [hbm4b:s2+s3], $0x80, v3, vm0, $0xb8;
	[tilespmem:$0x18400] =	vst v63  }
0x137: {  	s12 =	simm.s32 $0x11400  }
0x138: {  	[tilespmem:s12], [sflag:$0x2] =	stream.indirect_vreg.gather [hbm4b:s5+s3], $0x80, v3, vm0, $0xb8;
	[tilespmem:$0x18400] =	vst v63  }
0x139: {  	s30 =	simm.s32 $0x11C00  }
0x13a: {  	[tilespmem:s30], [sflag:$0x2] =	stream.indirect_vreg.gather [hbm4b:s6+s3], $0x80, v3, vm0, $0xb8;
	[tilespmem:$0x18400] =	vst v63  }
0x13b: {  	v3 =	vld [tilespmem:$0xE0];
	_ =	sdelay $0x4  }
0x13c: {  	v14 =	vshrl.u32 v3, $0x3  }
0x13d: {  	v4 =	vmul.u32 $0x30, v14  }
0x13e: {  	v3 =	vand.u32 $0x7, v3  }
0x13f: {  	v3 =	vor.u32 v3, v4  }
0x140: {  	v4 =	vperm.xlane v3, v0;
	_ =	sdelay $0x1  }
0x141: {  	v4 =	vadd.s32 v1, v4;
	_ =	sdelay $0x3  }
0x142: {  	s31 =	simm.s32 $0x12400;
	v3 =	vperm.xlane v3, v2  }
0x143: {  	[tilespmem:s31], [sflag:$0x2] =	stream.indirect_vreg.gather [hbm4b:s2+s3], $0x80, v4, vm0, $0xb8;
	[tilespmem:$0x18400] =	vst v63  }
0x144: {  	s30 =	simm.s32 $0x12C00;
	v3 =	vadd.s32 v1, v3  }
0x145: {  	[tilespmem:s30], [sflag:$0x2] =	stream.indirect_vreg.gather [hbm4b:s5+s3], $0x80, v4, vm0, $0xb8;
	[tilespmem:$0x18400] =	vst v63  }
0x146: {  	s31 =	simm.s32 $0x13400  }
0x147: {  	[tilespmem:s31], [sflag:$0x2] =	stream.indirect_vreg.gather [hbm4b:s6+s3], $0x80, v4, vm0, $0xb8;
	[tilespmem:$0x18400] =	vst v63  }
0x148: {  	s12 =	simm.s32 $0x13C00  }
0x149: {  	[tilespmem:s12], [sflag:$0x2] =	stream.indirect_vreg.gather [hbm4b:s2+s3], $0x80, v3, vm0, $0xb8;
	[tilespmem:$0x18400] =	vst v63  }
0x14a: {  	s12 =	simm.s32 $0x14400  }
0x14b: {  	[tilespmem:s12], [sflag:$0x2] =	stream.indirect_vreg.gather [hbm4b:s5+s3], $0x80, v3, vm0, $0xb8;
	[tilespmem:$0x18400] =	vst v63  }
0x14c: {  	s14 =	simm.s32 $0x14C00  }
0x14d: {  	[tilespmem:s14], [sflag:$0x2] =	stream.indirect_vreg.gather [hbm4b:s6+s3], $0x80, v3, vm0, $0xb8;
	[tilespmem:$0x18400] =	vst v63  }
0x14e: {  	v3 =	vld [tilespmem:$0xF0];
	_ =	sdelay $0x4  }
0x14f: {  	v15 =	vshrl.u32 v3, $0x3  }
0x150: {  	v4 =	vmul.u32 $0x30, v15  }
0x151: {  	v3 =	vand.u32 $0x7, v3  }
0x152: {  	v3 =	vor.u32 v3, v4  }
0x153: {  	v4 =	vperm.xlane v3, v0;
	_ =	sdelay $0x1  }
0x154: {  	v4 =	vadd.s32 v1, v4;
	_ =	sdelay $0x3  }
0x155: {  	s14 =	simm.s32 $0x15400;
	v3 =	vperm.xlane v3, v2  }
0x156: {  	[tilespmem:s14], [sflag:$0x2] =	stream.indirect_vreg.gather [hbm4b:s2+s3], $0x80, v4, vm0, $0xb8;
	[tilespmem:$0x18400] =	vst v63  }
0x157: {  	v3 =	vadd.s32 v1, v3;
	s14 =	simm.s32 $0x15C00  }
0x158: {  	[tilespmem:s14], [sflag:$0x2] =	stream.indirect_vreg.gather [hbm4b:s5+s3], $0x80, v4, vm0, $0xb8;
	[tilespmem:$0x18400] =	vst v63  }
0x159: {  	s12 =	simm.s32 $0x16400  }
0x15a: {  	[tilespmem:s12], [sflag:$0x2] =	stream.indirect_vreg.gather [hbm4b:s6+s3], $0x80, v4, vm0, $0xb8;
	[tilespmem:$0x18400] =	vst v63  }
0x15b: {  	s12 =	simm.s32 $0x16C00  }
0x15c: {  	[tilespmem:s12], [sflag:$0x2] =	stream.indirect_vreg.gather [hbm4b:s2+s3], $0x80, v3, vm0, $0xb8;
	[tilespmem:$0x18400] =	vst v63  }
0x15d: {  	s12 =	simm.s32 $0x17400  }
0x15e: {  	[tilespmem:s12], [sflag:$0x2] =	stream.indirect_vreg.gather [hbm4b:s5+s3], $0x80, v3, vm0, $0xb8;
	[tilespmem:$0x18400] =	vst v63  }
0x15f: {  	s12 =	simm.s32 $0x17C00  }
0x160: {  	[tilespmem:s12], [sflag:$0x2] =	stream.indirect_vreg.gather [hbm4b:s6+s3], $0x80, v3, vm0, $0xb8;
	[tilespmem:$0x18400] =	vst v63  }
0x161: {  	_ =	swait.ge [sflag:s0], $0xC000  }
0x162: {  	[sflag:s0] =	ssyncset.done $0x0  }
0x163: {  	s12 =	rddreg [dreg:$0x6];
	[sflag:s0] =	ssyncadd.s32 $0xFFFF4000  }
0x164: {  	[hbm4b:s12+s3] =	stream.linear.scatter [tilespmem:s29], [sflag:$0x3], $0xC000, $0x38;
	[tilespmem:$0x18400] =	vst v63  }
0x165: {  	_ =	swait.ge [sflag:s8], $0xC000  }
0x166: {  	[sflag:s8] =	ssyncset.done $0x0  }
0x167: {  	[sflag:s8] =	ssyncadd.s32 $0xFFFF4000  }
0x168: {  	v3 =	vld [tilespmem:$0x100];
	_ =	sdelay $0x4  }
0x169: {  	v16 =	vshrl.u32 v3, $0x3  }
0x16a: {  	v4 =	vmul.u32 $0x30, v16  }
0x16b: {  	v3 =	vand.u32 $0x7, v3  }
0x16c: {  	v3 =	vor.u32 v3, v4  }
0x16d: {  	v4 =	vperm.xlane v3, v0;
	_ =	sdelay $0x1  }
0x16e: {  	v4 =	vadd.s32 v1, v4;
	_ =	sdelay $0x3  }
0x16f: {  	v3 =	vperm.xlane v3, v2  }
0x170: {  	[tilespmem:s29], [sflag:$0x1] =	stream.indirect_vreg.gather [hbm4b:s2+s3], $0x80, v4, vm0, $0xb8;
	[tilespmem:$0x18400] =	vst v63  }
0x171: {  	v3 =	vadd.s32 v1, v3  }
0x172: {  	[tilespmem:s1], [sflag:$0x1] =	stream.indirect_vreg.gather [hbm4b:s5+s3], $0x80, v4, vm0, $0xb8;
	[tilespmem:$0x18400] =	vst v63  }
0x173: {  	_ = 	snop  }
0x174: {  	[tilespmem:s9], [sflag:$0x1] =	stream.indirect_vreg.gather [hbm4b:s6+s3], $0x80, v4, vm0, $0xb8;
	[tilespmem:$0x18400] =	vst v63  }
0x175: {  	_ = 	snop  }
0x176: {  	[tilespmem:s15], [sflag:$0x1] =	stream.indirect_vreg.gather [hbm4b:s2+s3], $0x80, v3, vm0, $0xb8;
	[tilespmem:$0x18400] =	vst v63  }
0x177: {  	_ = 	snop  }
0x178: {  	[tilespmem:s16], [sflag:$0x1] =	stream.indirect_vreg.gather [hbm4b:s5+s3], $0x80, v3, vm0, $0xb8;
	[tilespmem:$0x18400] =	vst v63  }
0x179: {  	s16 =	simm.s32 $0x2C00  }
0x17a: {  	[tilespmem:s16], [sflag:$0x1] =	stream.indirect_vreg.gather [hbm4b:s6+s3], $0x80, v3, vm0, $0xb8;
	[tilespmem:$0x18400] =	vst v63  }
0x17b: {  	v3 =	vld [tilespmem:$0x110];
	_ =	sdelay $0x4  }
0x17c: {  	v17 =	vshrl.u32 v3, $0x3  }
0x17d: {  	v4 =	vmul.u32 $0x30, v17  }
0x17e: {  	v3 =	vand.u32 $0x7, v3  }
0x17f: {  	v3 =	vor.u32 v3, v4  }
0x180: {  	v4 =	vperm.xlane v3, v0;
	_ =	sdelay $0x1  }
0x181: {  	v4 =	vadd.s32 v1, v4;
	_ =	sdelay $0x3  }
0x182: {  	s16 =	simm.s32 $0x3400;
	v3 =	vperm.xlane v3, v2  }
0x183: {  	[tilespmem:s16], [sflag:$0x1] =	stream.indirect_vreg.gather [hbm4b:s2+s3], $0x80, v4, vm0, $0xb8;
	[tilespmem:$0x18400] =	vst v63  }
0x184: {  	v3 =	vadd.s32 v1, v3  }
0x185: {  	[tilespmem:s17], [sflag:$0x1] =	stream.indirect_vreg.gather [hbm4b:s5+s3], $0x80, v4, vm0, $0xb8;
	[tilespmem:$0x18400] =	vst v63  }
0x186: {  	_ = 	snop  }
0x187: {  	[tilespmem:s18], [sflag:$0x1] =	stream.indirect_vreg.gather [hbm4b:s6+s3], $0x80, v4, vm0, $0xb8;
	[tilespmem:$0x18400] =	vst v63  }
0x188: {  	_ = 	snop  }
0x189: {  	[tilespmem:s19], [sflag:$0x1] =	stream.indirect_vreg.gather [hbm4b:s2+s3], $0x80, v3, vm0, $0xb8;
	[tilespmem:$0x18400] =	vst v63  }
0x18a: {  	_ = 	snop  }
0x18b: {  	[tilespmem:s20], [sflag:$0x1] =	stream.indirect_vreg.gather [hbm4b:s5+s3], $0x80, v3, vm0, $0xb8;
	[tilespmem:$0x18400] =	vst v63  }
0x18c: {  	s20 =	simm.s32 $0x5C00  }
0x18d: {  	[tilespmem:s20], [sflag:$0x1] =	stream.indirect_vreg.gather [hbm4b:s6+s3], $0x80, v3, vm0, $0xb8;
	[tilespmem:$0x18400] =	vst v63  }
0x18e: {  	v3 =	vld [tilespmem:$0x120];
	_ =	sdelay $0x4  }
0x18f: {  	v18 =	vshrl.u32 v3, $0x3  }
0x190: {  	v4 =	vmul.u32 $0x30, v18  }
0x191: {  	v3 =	vand.u32 $0x7, v3  }
0x192: {  	v3 =	vor.u32 v3, v4  }
0x193: {  	v4 =	vperm.xlane v3, v0;
	_ =	sdelay $0x1  }
0x194: {  	v4 =	vadd.s32 v1, v4;
	_ =	sdelay $0x3  }
0x195: {  	s20 =	simm.s32 $0x6400;
	v3 =	vperm.xlane v3, v2  }
0x196: {  	[tilespmem:s20], [sflag:$0x1] =	stream.indirect_vreg.gather [hbm4b:s2+s3], $0x80, v4, vm0, $0xb8;
	[tilespmem:$0x18400] =	vst v63  }
0x197: {  	v3 =	vadd.s32 v1, v3  }
0x198: {  	[tilespmem:s21], [sflag:$0x1] =	stream.indirect_vreg.gather [hbm4b:s5+s3], $0x80, v4, vm0, $0xb8;
	[tilespmem:$0x18400] =	vst v63  }
0x199: {  	_ = 	snop  }
0x19a: {  	[tilespmem:s22], [sflag:$0x1] =	stream.indirect_vreg.gather [hbm4b:s6+s3], $0x80, v4, vm0, $0xb8;
	[tilespmem:$0x18400] =	vst v63  }
0x19b: {  	_ = 	snop  }
0x19c: {  	[tilespmem:s23], [sflag:$0x1] =	stream.indirect_vreg.gather [hbm4b:s2+s3], $0x80, v3, vm0, $0xb8;
	[tilespmem:$0x18400] =	vst v63  }
0x19d: {  	_ = 	snop  }
0x19e: {  	[tilespmem:s24], [sflag:$0x1] =	stream.indirect_vreg.gather [hbm4b:s5+s3], $0x80, v3, vm0, $0xb8;
	[tilespmem:$0x18400] =	vst v63  }
0x19f: {  	s24 =	simm.s32 $0x8C00  }
0x1a0: {  	[tilespmem:s24], [sflag:$0x1] =	stream.indirect_vreg.gather [hbm4b:s6+s3], $0x80, v3, vm0, $0xb8;
	[tilespmem:$0x18400] =	vst v63  }
0x1a1: {  	v3 =	vld [tilespmem:$0x130];
	_ =	sdelay $0x4  }
0x1a2: {  	v19 =	vshrl.u32 v3, $0x3  }
0x1a3: {  	v4 =	vmul.u32 $0x30, v19  }
0x1a4: {  	v3 =	vand.u32 $0x7, v3  }
0x1a5: {  	v3 =	vor.u32 v3, v4  }
0x1a6: {  	v4 =	vperm.xlane v3, v0;
	_ =	sdelay $0x1  }
0x1a7: {  	v4 =	vadd.s32 v1, v4;
	_ =	sdelay $0x3  }
0x1a8: {  	s24 =	simm.s32 $0x9400;
	v3 =	vperm.xlane v3, v2  }
0x1a9: {  	[tilespmem:s24], [sflag:$0x1] =	stream.indirect_vreg.gather [hbm4b:s2+s3], $0x80, v4, vm0, $0xb8;
	[tilespmem:$0x18400] =	vst v63  }
0x1aa: {  	v3 =	vadd.s32 v1, v3  }
0x1ab: {  	[tilespmem:s25], [sflag:$0x1] =	stream.indirect_vreg.gather [hbm4b:s5+s3], $0x80, v4, vm0, $0xb8;
	[tilespmem:$0x18400] =	vst v63  }
0x1ac: {  	_ = 	snop  }
0x1ad: {  	[tilespmem:s26], [sflag:$0x1] =	stream.indirect_vreg.gather [hbm4b:s6+s3], $0x80, v4, vm0, $0xb8;
	[tilespmem:$0x18400] =	vst v63  }
0x1ae: {  	_ = 	snop  }
0x1af: {  	[tilespmem:s7], [sflag:$0x1] =	stream.indirect_vreg.gather [hbm4b:s2+s3], $0x80, v3, vm0, $0xb8;
	[tilespmem:$0x18400] =	vst v63  }
0x1b0: {  	_ = 	snop  }
0x1b1: {  	[tilespmem:s28], [sflag:$0x1] =	stream.indirect_vreg.gather [hbm4b:s5+s3], $0x80, v3, vm0, $0xb8;
	[tilespmem:$0x18400] =	vst v63  }
0x1b2: {  	s28 =	simm.s32 $0xBC00  }
0x1b3: {  	[tilespmem:s28], [sflag:$0x1] =	stream.indirect_vreg.gather [hbm4b:s6+s3], $0x80, v3, vm0, $0xb8;
	[tilespmem:$0x18400] =	vst v63  }
0x1b4: {  	_ =	swait.ge [sflag:s10], $0xC000  }
0x1b5: {  	[sflag:s10] =	ssyncset.done $0x0  }
0x1b6: {  	s28 =	rddreg [dreg:$0x7];
	[sflag:s10] =	ssyncadd.s32 $0xFFFF4000  }
0x1b7: {  	[hbm4b:s28+s3] =	stream.linear.scatter [tilespmem:s4], [sflag:$0x4], $0xC000, $0x38;
	[tilespmem:$0x18400] =	vst v63  }
0x1b8: {  	_ =	swait.ge [sflag:s11], $0xC000  }
0x1b9: {  	[sflag:s11] =	ssyncset.done $0x0  }
0x1ba: {  	[sflag:s11] =	ssyncadd.s32 $0xFFFF4000  }
0x1bb: {  	v3 =	vld [tilespmem:$0x140];
	_ =	sdelay $0x4  }
0x1bc: {  	v20 =	vshrl.u32 v3, $0x3  }
0x1bd: {  	v4 =	vmul.u32 $0x30, v20  }
0x1be: {  	v3 =	vand.u32 $0x7, v3  }
0x1bf: {  	v3 =	vor.u32 v3, v4  }
0x1c0: {  	v4 =	vperm.xlane v3, v0;
	_ =	sdelay $0x1  }
0x1c1: {  	v4 =	vadd.s32 v1, v4;
	_ =	sdelay $0x3  }
0x1c2: {  	v3 =	vperm.xlane v3, v2  }
0x1c3: {  	[tilespmem:s4], [sflag:$0x2] =	stream.indirect_vreg.gather [hbm4b:s2+s3], $0x80, v4, vm0, $0xb8;
	[tilespmem:$0x18400] =	vst v63  }
0x1c4: {  	s13 =	simm.s32 $0xCC00;
	v3 =	vadd.s32 v1, v3  }
0x1c5: {  	[tilespmem:s13], [sflag:$0x2] =	stream.indirect_vreg.gather [hbm4b:s5+s3], $0x80, v4, vm0, $0xb8;
	[tilespmem:$0x18400] =	vst v63  }
0x1c6: {  	s28 =	simm.s32 $0xD400  }
0x1c7: {  	[tilespmem:s28], [sflag:$0x2] =	stream.indirect_vreg.gather [hbm4b:s6+s3], $0x80, v4, vm0, $0xb8;
	[tilespmem:$0x18400] =	vst v63  }
0x1c8: {  	s12 =	simm.s32 $0xDC00  }
0x1c9: {  	[tilespmem:s12], [sflag:$0x2] =	stream.indirect_vreg.gather [hbm4b:s2+s3], $0x80, v3, vm0, $0xb8;
	[tilespmem:$0x18400] =	vst v63  }
0x1ca: {  	s12 =	simm.s32 $0xE400  }
0x1cb: {  	[tilespmem:s12], [sflag:$0x2] =	stream.indirect_vreg.gather [hbm4b:s5+s3], $0x80, v3, vm0, $0xb8;
	[tilespmem:$0x18400] =	vst v63  }
0x1cc: {  	s12 =	simm.s32 $0xEC00  }
0x1cd: {  	[tilespmem:s12], [sflag:$0x2] =	stream.indirect_vreg.gather [hbm4b:s6+s3], $0x80, v3, vm0, $0xb8;
	[tilespmem:$0x18400] =	vst v63  }
0x1ce: {  	v3 =	vld [tilespmem:$0x150];
	_ =	sdelay $0x4  }
0x1cf: {  	v21 =	vshrl.u32 v3, $0x3  }
0x1d0: {  	v4 =	vmul.u32 $0x30, v21  }
0x1d1: {  	v3 =	vand.u32 $0x7, v3  }
0x1d2: {  	v3 =	vor.u32 v3, v4  }
0x1d3: {  	v4 =	vperm.xlane v3, v0;
	_ =	sdelay $0x1  }
0x1d4: {  	v4 =	vadd.s32 v1, v4;
	_ =	sdelay $0x3  }
0x1d5: {  	s12 =	simm.s32 $0xF400;
	v3 =	vperm.xlane v3, v2  }
0x1d6: {  	[tilespmem:s12], [sflag:$0x2] =	stream.indirect_vreg.gather [hbm4b:s2+s3], $0x80, v4, vm0, $0xb8;
	[tilespmem:$0x18400] =	vst v63  }
0x1d7: {  	v3 =	vadd.s32 v1, v3;
	s12 =	simm.s32 $0xFC00  }
0x1d8: {  	[tilespmem:s12], [sflag:$0x2] =	stream.indirect_vreg.gather [hbm4b:s5+s3], $0x80, v4, vm0, $0xb8;
	[tilespmem:$0x18400] =	vst v63  }
0x1d9: {  	s12 =	simm.s32 $0x10400  }
0x1da: {  	[tilespmem:s12], [sflag:$0x2] =	stream.indirect_vreg.gather [hbm4b:s6+s3], $0x80, v4, vm0, $0xb8;
	[tilespmem:$0x18400] =	vst v63  }
0x1db: {  	s12 =	simm.s32 $0x10C00  }
0x1dc: {  	[tilespmem:s12], [sflag:$0x2] =	stream.indirect_vreg.gather [hbm4b:s2+s3], $0x80, v3, vm0, $0xb8;
	[tilespmem:$0x18400] =	vst v63  }
0x1dd: {  	s12 =	simm.s32 $0x11400  }
0x1de: {  	[tilespmem:s12], [sflag:$0x2] =	stream.indirect_vreg.gather [hbm4b:s5+s3], $0x80, v3, vm0, $0xb8;
	[tilespmem:$0x18400] =	vst v63  }
0x1df: {  	s12 =	simm.s32 $0x11C00  }
0x1e0: {  	[tilespmem:s12], [sflag:$0x2] =	stream.indirect_vreg.gather [hbm4b:s6+s3], $0x80, v3, vm0, $0xb8;
	[tilespmem:$0x18400] =	vst v63  }
0x1e1: {  	v3 =	vld [tilespmem:$0x160];
	_ =	sdelay $0x4  }
0x1e2: {  	v22 =	vshrl.u32 v3, $0x3  }
0x1e3: {  	v4 =	vmul.u32 $0x30, v22  }
0x1e4: {  	v3 =	vand.u32 $0x7, v3  }
0x1e5: {  	v3 =	vor.u32 v3, v4  }
0x1e6: {  	v4 =	vperm.xlane v3, v0;
	_ =	sdelay $0x1  }
0x1e7: {  	v4 =	vadd.s32 v1, v4;
	_ =	sdelay $0x3  }
0x1e8: {  	s12 =	simm.s32 $0x12400;
	v3 =	vperm.xlane v3, v2  }
0x1e9: {  	[tilespmem:s12], [sflag:$0x2] =	stream.indirect_vreg.gather [hbm4b:s2+s3], $0x80, v4, vm0, $0xb8;
	[tilespmem:$0x18400] =	vst v63  }
0x1ea: {  	s30 =	simm.s32 $0x12C00;
	v3 =	vadd.s32 v1, v3  }
0x1eb: {  	[tilespmem:s30], [sflag:$0x2] =	stream.indirect_vreg.gather [hbm4b:s5+s3], $0x80, v4, vm0, $0xb8;
	[tilespmem:$0x18400] =	vst v63  }
0x1ec: {  	s31 =	simm.s32 $0x13400  }
0x1ed: {  	[tilespmem:s31], [sflag:$0x2] =	stream.indirect_vreg.gather [hbm4b:s6+s3], $0x80, v4, vm0, $0xb8;
	[tilespmem:$0x18400] =	vst v63  }
0x1ee: {  	s12 =	simm.s32 $0x13C00  }
0x1ef: {  	[tilespmem:s12], [sflag:$0x2] =	stream.indirect_vreg.gather [hbm4b:s2+s3], $0x80, v3, vm0, $0xb8;
	[tilespmem:$0x18400] =	vst v63  }
0x1f0: {  	s12 =	simm.s32 $0x14400  }
0x1f1: {  	[tilespmem:s12], [sflag:$0x2] =	stream.indirect_vreg.gather [hbm4b:s5+s3], $0x80, v3, vm0, $0xb8;
	[tilespmem:$0x18400] =	vst v63  }
0x1f2: {  	s12 =	simm.s32 $0x14C00  }
0x1f3: {  	[tilespmem:s12], [sflag:$0x2] =	stream.indirect_vreg.gather [hbm4b:s6+s3], $0x80, v3, vm0, $0xb8;
	[tilespmem:$0x18400] =	vst v63  }
0x1f4: {  	v3 =	vld [tilespmem:$0x170];
	_ =	sdelay $0x4  }
0x1f5: {  	v23 =	vshrl.u32 v3, $0x3  }
0x1f6: {  	v4 =	vmul.u32 $0x30, v23  }
0x1f7: {  	v3 =	vand.u32 $0x7, v3  }
0x1f8: {  	v3 =	vor.u32 v3, v4  }
0x1f9: {  	v4 =	vperm.xlane v3, v0;
	_ =	sdelay $0x1  }
0x1fa: {  	v4 =	vadd.s32 v1, v4;
	_ =	sdelay $0x3  }
0x1fb: {  	s12 =	simm.s32 $0x15400;
	v3 =	vperm.xlane v3, v2  }
0x1fc: {  	[tilespmem:s12], [sflag:$0x2] =	stream.indirect_vreg.gather [hbm4b:s2+s3], $0x80, v4, vm0, $0xb8;
	[tilespmem:$0x18400] =	vst v63  }
0x1fd: {  	s14 =	simm.s32 $0x15C00;
	v3 =	vadd.s32 v1, v3  }
0x1fe: {  	[tilespmem:s14], [sflag:$0x2] =	stream.indirect_vreg.gather [hbm4b:s5+s3], $0x80, v4, vm0, $0xb8;
	[tilespmem:$0x18400] =	vst v63  }
0x1ff: {  	s12 =	simm.s32 $0x16400  }
0x200: {  	[tilespmem:s12], [sflag:$0x2] =	stream.indirect_vreg.gather [hbm4b:s6+s3], $0x80, v4, vm0, $0xb8;
	[tilespmem:$0x18400] =	vst v63  }
0x201: {  	s12 =	simm.s32 $0x16C00  }
0x202: {  	[tilespmem:s12], [sflag:$0x2] =	stream.indirect_vreg.gather [hbm4b:s2+s3], $0x80, v3, vm0, $0xb8;
	[tilespmem:$0x18400] =	vst v63  }
0x203: {  	s12 =	simm.s32 $0x17400  }
0x204: {  	[tilespmem:s12], [sflag:$0x2] =	stream.indirect_vreg.gather [hbm4b:s5+s3], $0x80, v3, vm0, $0xb8;
	[tilespmem:$0x18400] =	vst v63  }
0x205: {  	s12 =	simm.s32 $0x17C00  }
0x206: {  	[tilespmem:s12], [sflag:$0x2] =	stream.indirect_vreg.gather [hbm4b:s6+s3], $0x80, v3, vm0, $0xb8;
	[tilespmem:$0x18400] =	vst v63  }
0x207: {  	_ =	swait.ge [sflag:s0], $0xC000  }
0x208: {  	[sflag:s0] =	ssyncset.done $0x0  }
0x209: {  	s12 =	rddreg [dreg:$0x8];
	[sflag:s0] =	ssyncadd.s32 $0xFFFF4000  }
0x20a: {  	[hbm4b:s12+s3] =	stream.linear.scatter [tilespmem:s29], [sflag:$0x3], $0xC000, $0x38;
	[tilespmem:$0x18400] =	vst v63  }
0x20b: {  	_ =	swait.ge [sflag:s8], $0xC000  }
0x20c: {  	[sflag:s8] =	ssyncset.done $0x0  }
0x20d: {  	[sflag:s8] =	ssyncadd.s32 $0xFFFF4000  }
0x20e: {  	v3 =	vld [tilespmem:$0x180];
	_ =	sdelay $0x4  }
0x20f: {  	v24 =	vshrl.u32 v3, $0x3  }
0x210: {  	v4 =	vmul.u32 $0x30, v24  }
0x211: {  	v3 =	vand.u32 $0x7, v3  }
0x212: {  	v3 =	vor.u32 v3, v4  }
0x213: {  	v4 =	vperm.xlane v3, v0;
	_ =	sdelay $0x1  }
0x214: {  	v4 =	vadd.s32 v1, v4;
	_ =	sdelay $0x3  }
0x215: {  	v3 =	vperm.xlane v3, v2  }
0x216: {  	[tilespmem:s29], [sflag:$0x1] =	stream.indirect_vreg.gather [hbm4b:s2+s3], $0x80, v4, vm0, $0xb8;
	[tilespmem:$0x18400] =	vst v63  }
0x217: {  	s12 =	simm.s32 $0xC00;
	v3 =	vadd.s32 v1, v3  }
0x218: {  	[tilespmem:s12], [sflag:$0x1] =	stream.indirect_vreg.gather [hbm4b:s5+s3], $0x80, v4, vm0, $0xb8;
	[tilespmem:$0x18400] =	vst v63  }
0x219: {  	s1 =	simm.s32 $0x1400  }
0x21a: {  	[tilespmem:s1], [sflag:$0x1] =	stream.indirect_vreg.gather [hbm4b:s6+s3], $0x80, v4, vm0, $0xb8;
	[tilespmem:$0x18400] =	vst v63  }
0x21b: {  	s15 =	simm.s32 $0x1C00  }
0x21c: {  	[tilespmem:s15], [sflag:$0x1] =	stream.indirect_vreg.gather [hbm4b:s2+s3], $0x80, v3, vm0, $0xb8;
	[tilespmem:$0x18400] =	vst v63  }
0x21d: {  	s9 =	simm.s32 $0x2400  }
0x21e: {  	[tilespmem:s9], [sflag:$0x1] =	stream.indirect_vreg.gather [hbm4b:s5+s3], $0x80, v3, vm0, $0xb8;
	[tilespmem:$0x18400] =	vst v63  }
0x21f: {  	s12 =	simm.s32 $0x2C00  }
0x220: {  	[tilespmem:s12], [sflag:$0x1] =	stream.indirect_vreg.gather [hbm4b:s6+s3], $0x80, v3, vm0, $0xb8;
	[tilespmem:$0x18400] =	vst v63  }
0x221: {  	v3 =	vld [tilespmem:$0x190];
	_ =	sdelay $0x4  }
0x222: {  	v25 =	vshrl.u32 v3, $0x3  }
0x223: {  	v4 =	vmul.u32 $0x30, v25  }
0x224: {  	v3 =	vand.u32 $0x7, v3  }
0x225: {  	v3 =	vor.u32 v3, v4  }
0x226: {  	v4 =	vperm.xlane v3, v0;
	_ =	sdelay $0x1  }
0x227: {  	v4 =	vadd.s32 v1, v4;
	_ =	sdelay $0x3  }
0x228: {  	s12 =	simm.s32 $0x3400;
	v3 =	vperm.xlane v3, v2  }
0x229: {  	[tilespmem:s12], [sflag:$0x1] =	stream.indirect_vreg.gather [hbm4b:s2+s3], $0x80, v4, vm0, $0xb8;
	[tilespmem:$0x18400] =	vst v63  }
0x22a: {  	s16 =	simm.s32 $0x3C00;
	v3 =	vadd.s32 v1, v3  }
0x22b: {  	[tilespmem:s16], [sflag:$0x1] =	stream.indirect_vreg.gather [hbm4b:s5+s3], $0x80, v4, vm0, $0xb8;
	[tilespmem:$0x18400] =	vst v63  }
0x22c: {  	s17 =	simm.s32 $0x4400  }
0x22d: {  	[tilespmem:s17], [sflag:$0x1] =	stream.indirect_vreg.gather [hbm4b:s6+s3], $0x80, v4, vm0, $0xb8;
	[tilespmem:$0x18400] =	vst v63  }
0x22e: {  	s18 =	simm.s32 $0x4C00  }
0x22f: {  	[tilespmem:s18], [sflag:$0x1] =	stream.indirect_vreg.gather [hbm4b:s2+s3], $0x80, v3, vm0, $0xb8;
	[tilespmem:$0x18400] =	vst v63  }
0x230: {  	s19 =	simm.s32 $0x5400  }
0x231: {  	[tilespmem:s19], [sflag:$0x1] =	stream.indirect_vreg.gather [hbm4b:s5+s3], $0x80, v3, vm0, $0xb8;
	[tilespmem:$0x18400] =	vst v63  }
0x232: {  	s12 =	simm.s32 $0x5C00  }
0x233: {  	[tilespmem:s12], [sflag:$0x1] =	stream.indirect_vreg.gather [hbm4b:s6+s3], $0x80, v3, vm0, $0xb8;
	[tilespmem:$0x18400] =	vst v63  }
0x234: {  	v3 =	vld [tilespmem:$0x1A0];
	_ =	sdelay $0x4  }
0x235: {  	v26 =	vshrl.u32 v3, $0x3  }
0x236: {  	v4 =	vmul.u32 $0x30, v26  }
0x237: {  	v3 =	vand.u32 $0x7, v3  }
0x238: {  	v3 =	vor.u32 v3, v4  }
0x239: {  	v4 =	vperm.xlane v3, v0;
	_ =	sdelay $0x1  }
0x23a: {  	v4 =	vadd.s32 v1, v4;
	_ =	sdelay $0x3  }
0x23b: {  	s12 =	simm.s32 $0x6400;
	v3 =	vperm.xlane v3, v2  }
0x23c: {  	[tilespmem:s12], [sflag:$0x1] =	stream.indirect_vreg.gather [hbm4b:s2+s3], $0x80, v4, vm0, $0xb8;
	[tilespmem:$0x18400] =	vst v63  }
0x23d: {  	s20 =	simm.s32 $0x6C00;
	v3 =	vadd.s32 v1, v3  }
0x23e: {  	[tilespmem:s20], [sflag:$0x1] =	stream.indirect_vreg.gather [hbm4b:s5+s3], $0x80, v4, vm0, $0xb8;
	[tilespmem:$0x18400] =	vst v63  }
0x23f: {  	s21 =	simm.s32 $0x7400  }
0x240: {  	[tilespmem:s21], [sflag:$0x1] =	stream.indirect_vreg.gather [hbm4b:s6+s3], $0x80, v4, vm0, $0xb8;
	[tilespmem:$0x18400] =	vst v63  }
0x241: {  	s22 =	simm.s32 $0x7C00  }
0x242: {  	[tilespmem:s22], [sflag:$0x1] =	stream.indirect_vreg.gather [hbm4b:s2+s3], $0x80, v3, vm0, $0xb8;
	[tilespmem:$0x18400] =	vst v63  }
0x243: {  	s23 =	simm.s32 $0x8400  }
0x244: {  	[tilespmem:s23], [sflag:$0x1] =	stream.indirect_vreg.gather [hbm4b:s5+s3], $0x80, v3, vm0, $0xb8;
	[tilespmem:$0x18400] =	vst v63  }
0x245: {  	s12 =	simm.s32 $0x8C00  }
0x246: {  	[tilespmem:s12], [sflag:$0x1] =	stream.indirect_vreg.gather [hbm4b:s6+s3], $0x80, v3, vm0, $0xb8;
	[tilespmem:$0x18400] =	vst v63  }
0x247: {  	v3 =	vld [tilespmem:$0x1B0];
	_ =	sdelay $0x4  }
0x248: {  	v27 =	vshrl.u32 v3, $0x3  }
0x249: {  	v4 =	vmul.u32 $0x30, v27  }
0x24a: {  	v3 =	vand.u32 $0x7, v3  }
0x24b: {  	v3 =	vor.u32 v3, v4  }
0x24c: {  	v4 =	vperm.xlane v3, v0;
	_ =	sdelay $0x1  }
0x24d: {  	v4 =	vadd.s32 v1, v4;
	_ =	sdelay $0x3  }
0x24e: {  	s12 =	simm.s32 $0x9400;
	v3 =	vperm.xlane v3, v2  }
0x24f: {  	[tilespmem:s12], [sflag:$0x1] =	stream.indirect_vreg.gather [hbm4b:s2+s3], $0x80, v4, vm0, $0xb8;
	[tilespmem:$0x18400] =	vst v63  }
0x250: {  	s24 =	simm.s32 $0x9C00;
	v3 =	vadd.s32 v1, v3  }
0x251: {  	[tilespmem:s24], [sflag:$0x1] =	stream.indirect_vreg.gather [hbm4b:s5+s3], $0x80, v4, vm0, $0xb8;
	[tilespmem:$0x18400] =	vst v63  }
0x252: {  	s25 =	simm.s32 $0xA400  }
0x253: {  	[tilespmem:s25], [sflag:$0x1] =	stream.indirect_vreg.gather [hbm4b:s6+s3], $0x80, v4, vm0, $0xb8;
	[tilespmem:$0x18400] =	vst v63  }
0x254: {  	s7 =	simm.s32 $0xAC00  }
0x255: {  	[tilespmem:s7], [sflag:$0x1] =	stream.indirect_vreg.gather [hbm4b:s2+s3], $0x80, v3, vm0, $0xb8;
	[tilespmem:$0x18400] =	vst v63  }
0x256: {  	s26 =	simm.s32 $0xB400  }
0x257: {  	[tilespmem:s26], [sflag:$0x1] =	stream.indirect_vreg.gather [hbm4b:s5+s3], $0x80, v3, vm0, $0xb8;
	[tilespmem:$0x18400] =	vst v63  }
0x258: {  	s12 =	simm.s32 $0xBC00  }
0x259: {  	[tilespmem:s12], [sflag:$0x1] =	stream.indirect_vreg.gather [hbm4b:s6+s3], $0x80, v3, vm0, $0xb8;
	[tilespmem:$0x18400] =	vst v63  }
0x25a: {  	_ =	swait.ge [sflag:s10], $0xC000  }
0x25b: {  	[sflag:s10] =	ssyncset.done $0x0  }
0x25c: {  	s12 =	rddreg [dreg:$0x9];
	[sflag:s10] =	ssyncadd.s32 $0xFFFF4000  }
0x25d: {  	[hbm4b:s12+s3] =	stream.linear.scatter [tilespmem:s4], [sflag:$0x4], $0xC000, $0x38;
	[tilespmem:$0x18400] =	vst v63  }
0x25e: {  	_ =	swait.ge [sflag:s11], $0xC000  }
0x25f: {  	[sflag:s11] =	ssyncset.done $0x0  }
0x260: {  	[sflag:s11] =	ssyncadd.s32 $0xFFFF4000  }
0x261: {  	v3 =	vld [tilespmem:$0x1C0];
	_ =	sdelay $0x4  }
0x262: {  	v28 =	vshrl.u32 v3, $0x3  }
0x263: {  	v4 =	vmul.u32 $0x30, v28  }
0x264: {  	v3 =	vand.u32 $0x7, v3  }
0x265: {  	v3 =	vor.u32 v3, v4  }
0x266: {  	v4 =	vperm.xlane v3, v0;
	_ =	sdelay $0x1  }
0x267: {  	v4 =	vadd.s32 v1, v4;
	_ =	sdelay $0x3  }
0x268: {  	v3 =	vperm.xlane v3, v2  }
0x269: {  	[tilespmem:s4], [sflag:$0x2] =	stream.indirect_vreg.gather [hbm4b:s2+s3], $0x80, v4, vm0, $0xb8;
	[tilespmem:$0x18400] =	vst v63  }
0x26a: {  	s13 =	simm.s32 $0xCC00;
	v3 =	vadd.s32 v1, v3  }
0x26b: {  	[tilespmem:s13], [sflag:$0x2] =	stream.indirect_vreg.gather [hbm4b:s5+s3], $0x80, v4, vm0, $0xb8;
	[tilespmem:$0x18400] =	vst v63  }
0x26c: {  	s28 =	simm.s32 $0xD400  }
0x26d: {  	[tilespmem:s28], [sflag:$0x2] =	stream.indirect_vreg.gather [hbm4b:s6+s3], $0x80, v4, vm0, $0xb8;
	[tilespmem:$0x18400] =	vst v63  }
0x26e: {  	s12 =	simm.s32 $0xDC00  }
0x26f: {  	[tilespmem:s12], [sflag:$0x2] =	stream.indirect_vreg.gather [hbm4b:s2+s3], $0x80, v3, vm0, $0xb8;
	[tilespmem:$0x18400] =	vst v63  }
0x270: {  	s12 =	simm.s32 $0xE400  }
0x271: {  	[tilespmem:s12], [sflag:$0x2] =	stream.indirect_vreg.gather [hbm4b:s5+s3], $0x80, v3, vm0, $0xb8;
	[tilespmem:$0x18400] =	vst v63  }
0x272: {  	s12 =	simm.s32 $0xEC00  }
0x273: {  	[tilespmem:s12], [sflag:$0x2] =	stream.indirect_vreg.gather [hbm4b:s6+s3], $0x80, v3, vm0, $0xb8;
	[tilespmem:$0x18400] =	vst v63  }
0x274: {  	v3 =	vld [tilespmem:$0x1D0];
	_ =	sdelay $0x4  }
0x275: {  	v29 =	vshrl.u32 v3, $0x3  }
0x276: {  	v4 =	vmul.u32 $0x30, v29  }
0x277: {  	v3 =	vand.u32 $0x7, v3  }
0x278: {  	v3 =	vor.u32 v3, v4  }
0x279: {  	v4 =	vperm.xlane v3, v0;
	_ =	sdelay $0x1  }
0x27a: {  	v4 =	vadd.s32 v1, v4;
	_ =	sdelay $0x3  }
0x27b: {  	s12 =	simm.s32 $0xF400;
	v3 =	vperm.xlane v3, v2  }
0x27c: {  	[tilespmem:s12], [sflag:$0x2] =	stream.indirect_vreg.gather [hbm4b:s2+s3], $0x80, v4, vm0, $0xb8;
	[tilespmem:$0x18400] =	vst v63  }
0x27d: {  	v3 =	vadd.s32 v1, v3;
	s12 =	simm.s32 $0xFC00  }
0x27e: {  	[tilespmem:s12], [sflag:$0x2] =	stream.indirect_vreg.gather [hbm4b:s5+s3], $0x80, v4, vm0, $0xb8;
	[tilespmem:$0x18400] =	vst v63  }
0x27f: {  	s12 =	simm.s32 $0x10400  }
0x280: {  	[tilespmem:s12], [sflag:$0x2] =	stream.indirect_vreg.gather [hbm4b:s6+s3], $0x80, v4, vm0, $0xb8;
	[tilespmem:$0x18400] =	vst v63  }
0x281: {  	s12 =	simm.s32 $0x10C00  }
0x282: {  	[tilespmem:s12], [sflag:$0x2] =	stream.indirect_vreg.gather [hbm4b:s2+s3], $0x80, v3, vm0, $0xb8;
	[tilespmem:$0x18400] =	vst v63  }
0x283: {  	s12 =	simm.s32 $0x11400  }
0x284: {  	[tilespmem:s12], [sflag:$0x2] =	stream.indirect_vreg.gather [hbm4b:s5+s3], $0x80, v3, vm0, $0xb8;
	[tilespmem:$0x18400] =	vst v63  }
0x285: {  	s12 =	simm.s32 $0x11C00  }
0x286: {  	[tilespmem:s12], [sflag:$0x2] =	stream.indirect_vreg.gather [hbm4b:s6+s3], $0x80, v3, vm0, $0xb8;
	[tilespmem:$0x18400] =	vst v63  }
0x287: {  	v3 =	vld [tilespmem:$0x1E0];
	_ =	sdelay $0x4  }
0x288: {  	v30 =	vshrl.u32 v3, $0x3  }
0x289: {  	v4 =	vmul.u32 $0x30, v30  }
0x28a: {  	v3 =	vand.u32 $0x7, v3  }
0x28b: {  	v3 =	vor.u32 v3, v4  }
0x28c: {  	v4 =	vperm.xlane v3, v0;
	_ =	sdelay $0x1  }
0x28d: {  	v4 =	vadd.s32 v1, v4;
	_ =	sdelay $0x3  }
0x28e: {  	s12 =	simm.s32 $0x12400;
	v3 =	vperm.xlane v3, v2  }
0x28f: {  	[tilespmem:s12], [sflag:$0x2] =	stream.indirect_vreg.gather [hbm4b:s2+s3], $0x80, v4, vm0, $0xb8;
	[tilespmem:$0x18400] =	vst v63  }
0x290: {  	s30 =	simm.s32 $0x12C00;
	v3 =	vadd.s32 v1, v3  }
0x291: {  	[tilespmem:s30], [sflag:$0x2] =	stream.indirect_vreg.gather [hbm4b:s5+s3], $0x80, v4, vm0, $0xb8;
	[tilespmem:$0x18400] =	vst v63  }
0x292: {  	s31 =	simm.s32 $0x13400  }
0x293: {  	[tilespmem:s31], [sflag:$0x2] =	stream.indirect_vreg.gather [hbm4b:s6+s3], $0x80, v4, vm0, $0xb8;
	[tilespmem:$0x18400] =	vst v63  }
0x294: {  	s12 =	simm.s32 $0x13C00  }
0x295: {  	[tilespmem:s12], [sflag:$0x2] =	stream.indirect_vreg.gather [hbm4b:s2+s3], $0x80, v3, vm0, $0xb8;
	[tilespmem:$0x18400] =	vst v63  }
0x296: {  	s12 =	simm.s32 $0x14400  }
0x297: {  	[tilespmem:s12], [sflag:$0x2] =	stream.indirect_vreg.gather [hbm4b:s5+s3], $0x80, v3, vm0, $0xb8;
	[tilespmem:$0x18400] =	vst v63  }
0x298: {  	s12 =	simm.s32 $0x14C00  }
0x299: {  	[tilespmem:s12], [sflag:$0x2] =	stream.indirect_vreg.gather [hbm4b:s6+s3], $0x80, v3, vm0, $0xb8;
	[tilespmem:$0x18400] =	vst v63  }
0x29a: {  	v3 =	vld [tilespmem:$0x1F0];
	_ =	sdelay $0x4  }
0x29b: {  	v31 =	vshrl.u32 v3, $0x3  }
0x29c: {  	v4 =	vmul.u32 $0x30, v31  }
0x29d: {  	v3 =	vand.u32 $0x7, v3  }
0x29e: {  	v3 =	vor.u32 v3, v4  }
0x29f: {  	v4 =	vperm.xlane v3, v0;
	_ =	sdelay $0x1  }
0x2a0: {  	v4 =	vadd.s32 v1, v4;
	_ =	sdelay $0x3  }
0x2a1: {  	s12 =	simm.s32 $0x15400;
	v3 =	vperm.xlane v3, v2  }
0x2a2: {  	[tilespmem:s12], [sflag:$0x2] =	stream.indirect_vreg.gather [hbm4b:s2+s3], $0x80, v4, vm0, $0xb8;
	[tilespmem:$0x18400] =	vst v63  }
0x2a3: {  	s14 =	simm.s32 $0x15C00;
	v3 =	vadd.s32 v1, v3  }
0x2a4: {  	[tilespmem:s14], [sflag:$0x2] =	stream.indirect_vreg.gather [hbm4b:s5+s3], $0x80, v4, vm0, $0xb8;
	[tilespmem:$0x18400] =	vst v63  }
0x2a5: {  	s12 =	simm.s32 $0x16400  }
0x2a6: {  	[tilespmem:s12], [sflag:$0x2] =	stream.indirect_vreg.gather [hbm4b:s6+s3], $0x80, v4, vm0, $0xb8;
	[tilespmem:$0x18400] =	vst v63  }
0x2a7: {  	s12 =	simm.s32 $0x16C00  }
0x2a8: {  	[tilespmem:s12], [sflag:$0x2] =	stream.indirect_vreg.gather [hbm4b:s2+s3], $0x80, v3, vm0, $0xb8;
	[tilespmem:$0x18400] =	vst v63  }
0x2a9: {  	s12 =	simm.s32 $0x17400  }
0x2aa: {  	[tilespmem:s12], [sflag:$0x2] =	stream.indirect_vreg.gather [hbm4b:s5+s3], $0x80, v3, vm0, $0xb8;
	[tilespmem:$0x18400] =	vst v63  }
0x2ab: {  	s12 =	simm.s32 $0x17C00  }
0x2ac: {  	[tilespmem:s12], [sflag:$0x2] =	stream.indirect_vreg.gather [hbm4b:s6+s3], $0x80, v3, vm0, $0xb8;
	[tilespmem:$0x18400] =	vst v63  }
0x2ad: {  	_ =	swait.ge [sflag:s0], $0xC000  }
0x2ae: {  	[sflag:s0] =	ssyncset.done $0x0  }
0x2af: {  	s12 =	rddreg [dreg:$0xa];
	[sflag:s0] =	ssyncadd.s32 $0xFFFF4000  }
0x2b0: {  	[hbm4b:s12+s3] =	stream.linear.scatter [tilespmem:s29], [sflag:$0x3], $0xC000, $0x38;
	[tilespmem:$0x18400] =	vst v63  }
0x2b1: {  	_ =	swait.ge [sflag:s8], $0xC000  }
0x2b2: {  	[sflag:s8] =	ssyncset.done $0x0  }
0x2b3: {  	[sflag:s8] =	ssyncadd.s32 $0xFFFF4000  }
0x2b4: {  	v3 =	vld [tilespmem:$0x200];
	_ =	sdelay $0x4  }
0x2b5: {  	v32 =	vshrl.u32 v3, $0x3  }
0x2b6: {  	v4 =	vmul.u32 $0x30, v32  }
0x2b7: {  	v3 =	vand.u32 $0x7, v3  }
0x2b8: {  	v3 =	vor.u32 v3, v4  }
0x2b9: {  	v4 =	vperm.xlane v3, v0;
	_ =	sdelay $0x1  }
0x2ba: {  	v4 =	vadd.s32 v1, v4;
	_ =	sdelay $0x3  }
0x2bb: {  	v3 =	vperm.xlane v3, v2  }
0x2bc: {  	[tilespmem:s29], [sflag:$0x1] =	stream.indirect_vreg.gather [hbm4b:s2+s3], $0x80, v4, vm0, $0xb8;
	[tilespmem:$0x18400] =	vst v63  }
0x2bd: {  	s12 =	simm.s32 $0xC00;
	v3 =	vadd.s32 v1, v3  }
0x2be: {  	[tilespmem:s12], [sflag:$0x1] =	stream.indirect_vreg.gather [hbm4b:s5+s3], $0x80, v4, vm0, $0xb8;
	[tilespmem:$0x18400] =	vst v63  }
0x2bf: {  	s1 =	simm.s32 $0x1400  }
0x2c0: {  	[tilespmem:s1], [sflag:$0x1] =	stream.indirect_vreg.gather [hbm4b:s6+s3], $0x80, v4, vm0, $0xb8;
	[tilespmem:$0x18400] =	vst v63  }
0x2c1: {  	s15 =	simm.s32 $0x1C00  }
0x2c2: {  	[tilespmem:s15], [sflag:$0x1] =	stream.indirect_vreg.gather [hbm4b:s2+s3], $0x80, v3, vm0, $0xb8;
	[tilespmem:$0x18400] =	vst v63  }
0x2c3: {  	s9 =	simm.s32 $0x2400  }
0x2c4: {  	[tilespmem:s9], [sflag:$0x1] =	stream.indirect_vreg.gather [hbm4b:s5+s3], $0x80, v3, vm0, $0xb8;
	[tilespmem:$0x18400] =	vst v63  }
0x2c5: {  	s12 =	simm.s32 $0x2C00  }
0x2c6: {  	[tilespmem:s12], [sflag:$0x1] =	stream.indirect_vreg.gather [hbm4b:s6+s3], $0x80, v3, vm0, $0xb8;
	[tilespmem:$0x18400] =	vst v63  }
0x2c7: {  	v3 =	vld [tilespmem:$0x210];
	_ =	sdelay $0x4  }
0x2c8: {  	v33 =	vshrl.u32 v3, $0x3  }
0x2c9: {  	v4 =	vmul.u32 $0x30, v33  }
0x2ca: {  	v3 =	vand.u32 $0x7, v3  }
0x2cb: {  	v3 =	vor.u32 v3, v4  }
0x2cc: {  	v4 =	vperm.xlane v3, v0;
	_ =	sdelay $0x1  }
0x2cd: {  	v4 =	vadd.s32 v1, v4;
	_ =	sdelay $0x3  }
0x2ce: {  	s12 =	simm.s32 $0x3400;
	v3 =	vperm.xlane v3, v2  }
0x2cf: {  	[tilespmem:s12], [sflag:$0x1] =	stream.indirect_vreg.gather [hbm4b:s2+s3], $0x80, v4, vm0, $0xb8;
	[tilespmem:$0x18400] =	vst v63  }
0x2d0: {  	s16 =	simm.s32 $0x3C00;
	v3 =	vadd.s32 v1, v3  }
0x2d1: {  	[tilespmem:s16], [sflag:$0x1] =	stream.indirect_vreg.gather [hbm4b:s5+s3], $0x80, v4, vm0, $0xb8;
	[tilespmem:$0x18400] =	vst v63  }
0x2d2: {  	s17 =	simm.s32 $0x4400  }
0x2d3: {  	[tilespmem:s17], [sflag:$0x1] =	stream.indirect_vreg.gather [hbm4b:s6+s3], $0x80, v4, vm0, $0xb8;
	[tilespmem:$0x18400] =	vst v63  }
0x2d4: {  	s18 =	simm.s32 $0x4C00  }
0x2d5: {  	[tilespmem:s18], [sflag:$0x1] =	stream.indirect_vreg.gather [hbm4b:s2+s3], $0x80, v3, vm0, $0xb8;
	[tilespmem:$0x18400] =	vst v63  }
0x2d6: {  	s19 =	simm.s32 $0x5400  }
0x2d7: {  	[tilespmem:s19], [sflag:$0x1] =	stream.indirect_vreg.gather [hbm4b:s5+s3], $0x80, v3, vm0, $0xb8;
	[tilespmem:$0x18400] =	vst v63  }
0x2d8: {  	s12 =	simm.s32 $0x5C00  }
0x2d9: {  	[tilespmem:s12], [sflag:$0x1] =	stream.indirect_vreg.gather [hbm4b:s6+s3], $0x80, v3, vm0, $0xb8;
	[tilespmem:$0x18400] =	vst v63  }
0x2da: {  	v3 =	vld [tilespmem:$0x220];
	_ =	sdelay $0x4  }
0x2db: {  	v34 =	vshrl.u32 v3, $0x3  }
0x2dc: {  	v4 =	vmul.u32 $0x30, v34  }
0x2dd: {  	v3 =	vand.u32 $0x7, v3  }
0x2de: {  	v3 =	vor.u32 v3, v4  }
0x2df: {  	v4 =	vperm.xlane v3, v0;
	_ =	sdelay $0x1  }
0x2e0: {  	v4 =	vadd.s32 v1, v4;
	_ =	sdelay $0x3  }
0x2e1: {  	s12 =	simm.s32 $0x6400;
	v3 =	vperm.xlane v3, v2  }
0x2e2: {  	[tilespmem:s12], [sflag:$0x1] =	stream.indirect_vreg.gather [hbm4b:s2+s3], $0x80, v4, vm0, $0xb8;
	[tilespmem:$0x18400] =	vst v63  }
0x2e3: {  	s20 =	simm.s32 $0x6C00;
	v3 =	vadd.s32 v1, v3  }
0x2e4: {  	[tilespmem:s20], [sflag:$0x1] =	stream.indirect_vreg.gather [hbm4b:s5+s3], $0x80, v4, vm0, $0xb8;
	[tilespmem:$0x18400] =	vst v63  }
0x2e5: {  	s21 =	simm.s32 $0x7400  }
0x2e6: {  	[tilespmem:s21], [sflag:$0x1] =	stream.indirect_vreg.gather [hbm4b:s6+s3], $0x80, v4, vm0, $0xb8;
	[tilespmem:$0x18400] =	vst v63  }
0x2e7: {  	s22 =	simm.s32 $0x7C00  }
0x2e8: {  	[tilespmem:s22], [sflag:$0x1] =	stream.indirect_vreg.gather [hbm4b:s2+s3], $0x80, v3, vm0, $0xb8;
	[tilespmem:$0x18400] =	vst v63  }
0x2e9: {  	s23 =	simm.s32 $0x8400  }
0x2ea: {  	[tilespmem:s23], [sflag:$0x1] =	stream.indirect_vreg.gather [hbm4b:s5+s3], $0x80, v3, vm0, $0xb8;
	[tilespmem:$0x18400] =	vst v63  }
0x2eb: {  	s12 =	simm.s32 $0x8C00  }
0x2ec: {  	[tilespmem:s12], [sflag:$0x1] =	stream.indirect_vreg.gather [hbm4b:s6+s3], $0x80, v3, vm0, $0xb8;
	[tilespmem:$0x18400] =	vst v63  }
0x2ed: {  	v3 =	vld [tilespmem:$0x230];
	_ =	sdelay $0x4  }
0x2ee: {  	v35 =	vshrl.u32 v3, $0x3  }
0x2ef: {  	v4 =	vmul.u32 $0x30, v35  }
0x2f0: {  	v3 =	vand.u32 $0x7, v3  }
0x2f1: {  	v3 =	vor.u32 v3, v4  }
0x2f2: {  	v4 =	vperm.xlane v3, v0;
	_ =	sdelay $0x1  }
0x2f3: {  	v4 =	vadd.s32 v1, v4;
	_ =	sdelay $0x3  }
0x2f4: {  	s12 =	simm.s32 $0x9400;
	v3 =	vperm.xlane v3, v2  }
0x2f5: {  	[tilespmem:s12], [sflag:$0x1] =	stream.indirect_vreg.gather [hbm4b:s2+s3], $0x80, v4, vm0, $0xb8;
	[tilespmem:$0x18400] =	vst v63  }
0x2f6: {  	s24 =	simm.s32 $0x9C00;
	v3 =	vadd.s32 v1, v3  }
0x2f7: {  	[tilespmem:s24], [sflag:$0x1] =	stream.indirect_vreg.gather [hbm4b:s5+s3], $0x80, v4, vm0, $0xb8;
	[tilespmem:$0x18400] =	vst v63  }
0x2f8: {  	s25 =	simm.s32 $0xA400  }
0x2f9: {  	[tilespmem:s25], [sflag:$0x1] =	stream.indirect_vreg.gather [hbm4b:s6+s3], $0x80, v4, vm0, $0xb8;
	[tilespmem:$0x18400] =	vst v63  }
0x2fa: {  	s7 =	simm.s32 $0xAC00  }
0x2fb: {  	[tilespmem:s7], [sflag:$0x1] =	stream.indirect_vreg.gather [hbm4b:s2+s3], $0x80, v3, vm0, $0xb8;
	[tilespmem:$0x18400] =	vst v63  }
0x2fc: {  	s26 =	simm.s32 $0xB400  }
0x2fd: {  	[tilespmem:s26], [sflag:$0x1] =	stream.indirect_vreg.gather [hbm4b:s5+s3], $0x80, v3, vm0, $0xb8;
	[tilespmem:$0x18400] =	vst v63  }
0x2fe: {  	s12 =	simm.s32 $0xBC00  }
0x2ff: {  	[tilespmem:s12], [sflag:$0x1] =	stream.indirect_vreg.gather [hbm4b:s6+s3], $0x80, v3, vm0, $0xb8;
	[tilespmem:$0x18400] =	vst v63  }
0x300: {  	_ =	swait.ge [sflag:s10], $0xC000  }
0x301: {  	[sflag:s10] =	ssyncset.done $0x0  }
0x302: {  	s12 =	rddreg [dreg:$0xb];
	[sflag:s10] =	ssyncadd.s32 $0xFFFF4000  }
0x303: {  	[hbm4b:s12+s3] =	stream.linear.scatter [tilespmem:s4], [sflag:$0x4], $0xC000, $0x38;
	[tilespmem:$0x18400] =	vst v63  }
0x304: {  	_ =	swait.ge [sflag:s11], $0xC000  }
0x305: {  	[sflag:s11] =	ssyncset.done $0x0  }
0x306: {  	[sflag:s11] =	ssyncadd.s32 $0xFFFF4000  }
0x307: {  	v3 =	vld [tilespmem:$0x240];
	_ =	sdelay $0x4  }
0x308: {  	v36 =	vshrl.u32 v3, $0x3  }
0x309: {  	v4 =	vmul.u32 $0x30, v36  }
0x30a: {  	v3 =	vand.u32 $0x7, v3  }
0x30b: {  	v3 =	vor.u32 v3, v4  }
0x30c: {  	v4 =	vperm.xlane v3, v0;
	_ =	sdelay $0x1  }
0x30d: {  	v4 =	vadd.s32 v1, v4;
	_ =	sdelay $0x3  }
0x30e: {  	v3 =	vperm.xlane v3, v2  }
0x30f: {  	[tilespmem:s4], [sflag:$0x2] =	stream.indirect_vreg.gather [hbm4b:s2+s3], $0x80, v4, vm0, $0xb8;
	[tilespmem:$0x18400] =	vst v63  }
0x310: {  	s13 =	simm.s32 $0xCC00;
	v3 =	vadd.s32 v1, v3  }
0x311: {  	[tilespmem:s13], [sflag:$0x2] =	stream.indirect_vreg.gather [hbm4b:s5+s3], $0x80, v4, vm0, $0xb8;
	[tilespmem:$0x18400] =	vst v63  }
0x312: {  	s28 =	simm.s32 $0xD400  }
0x313: {  	[tilespmem:s28], [sflag:$0x2] =	stream.indirect_vreg.gather [hbm4b:s6+s3], $0x80, v4, vm0, $0xb8;
	[tilespmem:$0x18400] =	vst v63  }
0x314: {  	s12 =	simm.s32 $0xDC00  }
0x315: {  	[tilespmem:s12], [sflag:$0x2] =	stream.indirect_vreg.gather [hbm4b:s2+s3], $0x80, v3, vm0, $0xb8;
	[tilespmem:$0x18400] =	vst v63  }
0x316: {  	s12 =	simm.s32 $0xE400  }
0x317: {  	[tilespmem:s12], [sflag:$0x2] =	stream.indirect_vreg.gather [hbm4b:s5+s3], $0x80, v3, vm0, $0xb8;
	[tilespmem:$0x18400] =	vst v63  }
0x318: {  	s12 =	simm.s32 $0xEC00  }
0x319: {  	[tilespmem:s12], [sflag:$0x2] =	stream.indirect_vreg.gather [hbm4b:s6+s3], $0x80, v3, vm0, $0xb8;
	[tilespmem:$0x18400] =	vst v63  }
0x31a: {  	v3 =	vld [tilespmem:$0x250];
	_ =	sdelay $0x4  }
0x31b: {  	v37 =	vshrl.u32 v3, $0x3  }
0x31c: {  	v4 =	vmul.u32 $0x30, v37  }
0x31d: {  	v3 =	vand.u32 $0x7, v3  }
0x31e: {  	v3 =	vor.u32 v3, v4  }
0x31f: {  	v4 =	vperm.xlane v3, v0;
	_ =	sdelay $0x1  }
0x320: {  	v4 =	vadd.s32 v1, v4;
	_ =	sdelay $0x3  }
0x321: {  	s12 =	simm.s32 $0xF400;
	v3 =	vperm.xlane v3, v2  }
0x322: {  	[tilespmem:s12], [sflag:$0x2] =	stream.indirect_vreg.gather [hbm4b:s2+s3], $0x80, v4, vm0, $0xb8;
	[tilespmem:$0x18400] =	vst v63  }
0x323: {  	v3 =	vadd.s32 v1, v3;
	s12 =	simm.s32 $0xFC00  }
0x324: {  	[tilespmem:s12], [sflag:$0x2] =	stream.indirect_vreg.gather [hbm4b:s5+s3], $0x80, v4, vm0, $0xb8;
	[tilespmem:$0x18400] =	vst v63  }
0x325: {  	s12 =	simm.s32 $0x10400  }
0x326: {  	[tilespmem:s12], [sflag:$0x2] =	stream.indirect_vreg.gather [hbm4b:s6+s3], $0x80, v4, vm0, $0xb8;
	[tilespmem:$0x18400] =	vst v63  }
0x327: {  	s12 =	simm.s32 $0x10C00  }
0x328: {  	[tilespmem:s12], [sflag:$0x2] =	stream.indirect_vreg.gather [hbm4b:s2+s3], $0x80, v3, vm0, $0xb8;
	[tilespmem:$0x18400] =	vst v63  }
0x329: {  	s12 =	simm.s32 $0x11400  }
0x32a: {  	[tilespmem:s12], [sflag:$0x2] =	stream.indirect_vreg.gather [hbm4b:s5+s3], $0x80, v3, vm0, $0xb8;
	[tilespmem:$0x18400] =	vst v63  }
0x32b: {  	s12 =	simm.s32 $0x11C00  }
0x32c: {  	[tilespmem:s12], [sflag:$0x2] =	stream.indirect_vreg.gather [hbm4b:s6+s3], $0x80, v3, vm0, $0xb8;
	[tilespmem:$0x18400] =	vst v63  }
0x32d: {  	v3 =	vld [tilespmem:$0x260];
	_ =	sdelay $0x4  }
0x32e: {  	v38 =	vshrl.u32 v3, $0x3  }
0x32f: {  	v4 =	vmul.u32 $0x30, v38  }
0x330: {  	v3 =	vand.u32 $0x7, v3  }
0x331: {  	v3 =	vor.u32 v3, v4  }
0x332: {  	v4 =	vperm.xlane v3, v0;
	_ =	sdelay $0x1  }
0x333: {  	v4 =	vadd.s32 v1, v4;
	_ =	sdelay $0x3  }
0x334: {  	s12 =	simm.s32 $0x12400;
	v3 =	vperm.xlane v3, v2  }
0x335: {  	[tilespmem:s12], [sflag:$0x2] =	stream.indirect_vreg.gather [hbm4b:s2+s3], $0x80, v4, vm0, $0xb8;
	[tilespmem:$0x18400] =	vst v63  }
0x336: {  	s30 =	simm.s32 $0x12C00;
	v3 =	vadd.s32 v1, v3  }
0x337: {  	[tilespmem:s30], [sflag:$0x2] =	stream.indirect_vreg.gather [hbm4b:s5+s3], $0x80, v4, vm0, $0xb8;
	[tilespmem:$0x18400] =	vst v63  }
0x338: {  	s31 =	simm.s32 $0x13400  }
0x339: {  	[tilespmem:s31], [sflag:$0x2] =	stream.indirect_vreg.gather [hbm4b:s6+s3], $0x80, v4, vm0, $0xb8;
	[tilespmem:$0x18400] =	vst v63  }
0x33a: {  	s12 =	simm.s32 $0x13C00  }
0x33b: {  	[tilespmem:s12], [sflag:$0x2] =	stream.indirect_vreg.gather [hbm4b:s2+s3], $0x80, v3, vm0, $0xb8;
	[tilespmem:$0x18400] =	vst v63  }
0x33c: {  	s12 =	simm.s32 $0x14400  }
0x33d: {  	[tilespmem:s12], [sflag:$0x2] =	stream.indirect_vreg.gather [hbm4b:s5+s3], $0x80, v3, vm0, $0xb8;
	[tilespmem:$0x18400] =	vst v63  }
0x33e: {  	s12 =	simm.s32 $0x14C00  }
0x33f: {  	[tilespmem:s12], [sflag:$0x2] =	stream.indirect_vreg.gather [hbm4b:s6+s3], $0x80, v3, vm0, $0xb8;
	[tilespmem:$0x18400] =	vst v63  }
0x340: {  	v3 =	vld [tilespmem:$0x270];
	_ =	sdelay $0x4  }
0x341: {  	v39 =	vshrl.u32 v3, $0x3  }
0x342: {  	v4 =	vmul.u32 $0x30, v39  }
0x343: {  	v3 =	vand.u32 $0x7, v3  }
0x344: {  	v3 =	vor.u32 v3, v4  }
0x345: {  	v4 =	vperm.xlane v3, v0;
	_ =	sdelay $0x1  }
0x346: {  	v4 =	vadd.s32 v1, v4;
	_ =	sdelay $0x3  }
0x347: {  	s12 =	simm.s32 $0x15400;
	v3 =	vperm.xlane v3, v2  }
0x348: {  	[tilespmem:s12], [sflag:$0x2] =	stream.indirect_vreg.gather [hbm4b:s2+s3], $0x80, v4, vm0, $0xb8;
	[tilespmem:$0x18400] =	vst v63  }
0x349: {  	s14 =	simm.s32 $0x15C00;
	v3 =	vadd.s32 v1, v3  }
0x34a: {  	[tilespmem:s14], [sflag:$0x2] =	stream.indirect_vreg.gather [hbm4b:s5+s3], $0x80, v4, vm0, $0xb8;
	[tilespmem:$0x18400] =	vst v63  }
0x34b: {  	s12 =	simm.s32 $0x16400  }
0x34c: {  	[tilespmem:s12], [sflag:$0x2] =	stream.indirect_vreg.gather [hbm4b:s6+s3], $0x80, v4, vm0, $0xb8;
	[tilespmem:$0x18400] =	vst v63  }
0x34d: {  	s12 =	simm.s32 $0x16C00  }
0x34e: {  	[tilespmem:s12], [sflag:$0x2] =	stream.indirect_vreg.gather [hbm4b:s2+s3], $0x80, v3, vm0, $0xb8;
	[tilespmem:$0x18400] =	vst v63  }
0x34f: {  	s12 =	simm.s32 $0x17400  }
0x350: {  	[tilespmem:s12], [sflag:$0x2] =	stream.indirect_vreg.gather [hbm4b:s5+s3], $0x80, v3, vm0, $0xb8;
	[tilespmem:$0x18400] =	vst v63  }
0x351: {  	s12 =	simm.s32 $0x17C00  }
0x352: {  	[tilespmem:s12], [sflag:$0x2] =	stream.indirect_vreg.gather [hbm4b:s6+s3], $0x80, v3, vm0, $0xb8;
	[tilespmem:$0x18400] =	vst v63  }
0x353: {  	_ =	swait.ge [sflag:s0], $0xC000  }
0x354: {  	[sflag:s0] =	ssyncset.done $0x0  }
0x355: {  	s12 =	rddreg [dreg:$0xc];
	[sflag:s0] =	ssyncadd.s32 $0xFFFF4000  }
0x356: {  	[hbm4b:s12+s3] =	stream.linear.scatter [tilespmem:s29], [sflag:$0x3], $0xC000, $0x38;
	[tilespmem:$0x18400] =	vst v63  }
0x357: {  	_ =	swait.ge [sflag:s8], $0xC000  }
0x358: {  	[sflag:s8] =	ssyncset.done $0x0  }
0x359: {  	[sflag:s8] =	ssyncadd.s32 $0xFFFF4000  }
0x35a: {  	v3 =	vld [tilespmem:$0x280];
	_ =	sdelay $0x4  }
0x35b: {  	v40 =	vshrl.u32 v3, $0x3  }
0x35c: {  	v4 =	vmul.u32 $0x30, v40  }
0x35d: {  	v3 =	vand.u32 $0x7, v3  }
0x35e: {  	v3 =	vor.u32 v3, v4  }
0x35f: {  	v4 =	vperm.xlane v3, v0;
	_ =	sdelay $0x1  }
0x360: {  	v4 =	vadd.s32 v1, v4;
	_ =	sdelay $0x3  }
0x361: {  	v3 =	vperm.xlane v3, v2  }
0x362: {  	[tilespmem:s29], [sflag:$0x1] =	stream.indirect_vreg.gather [hbm4b:s2+s3], $0x80, v4, vm0, $0xb8;
	[tilespmem:$0x18400] =	vst v63  }
0x363: {  	s12 =	simm.s32 $0xC00;
	v3 =	vadd.s32 v1, v3  }
0x364: {  	[tilespmem:s12], [sflag:$0x1] =	stream.indirect_vreg.gather [hbm4b:s5+s3], $0x80, v4, vm0, $0xb8;
	[tilespmem:$0x18400] =	vst v63  }
0x365: {  	s1 =	simm.s32 $0x1400  }
0x366: {  	[tilespmem:s1], [sflag:$0x1] =	stream.indirect_vreg.gather [hbm4b:s6+s3], $0x80, v4, vm0, $0xb8;
	[tilespmem:$0x18400] =	vst v63  }
0x367: {  	s15 =	simm.s32 $0x1C00  }
0x368: {  	[tilespmem:s15], [sflag:$0x1] =	stream.indirect_vreg.gather [hbm4b:s2+s3], $0x80, v3, vm0, $0xb8;
	[tilespmem:$0x18400] =	vst v63  }
0x369: {  	s9 =	simm.s32 $0x2400  }
0x36a: {  	[tilespmem:s9], [sflag:$0x1] =	stream.indirect_vreg.gather [hbm4b:s5+s3], $0x80, v3, vm0, $0xb8;
	[tilespmem:$0x18400] =	vst v63  }
0x36b: {  	s12 =	simm.s32 $0x2C00  }
0x36c: {  	[tilespmem:s12], [sflag:$0x1] =	stream.indirect_vreg.gather [hbm4b:s6+s3], $0x80, v3, vm0, $0xb8;
	[tilespmem:$0x18400] =	vst v63  }
0x36d: {  	v3 =	vld [tilespmem:$0x290];
	_ =	sdelay $0x4  }
0x36e: {  	v41 =	vshrl.u32 v3, $0x3  }
0x36f: {  	v4 =	vmul.u32 $0x30, v41  }
0x370: {  	v3 =	vand.u32 $0x7, v3  }
0x371: {  	v3 =	vor.u32 v3, v4  }
0x372: {  	v4 =	vperm.xlane v3, v0;
	_ =	sdelay $0x1  }
0x373: {  	v4 =	vadd.s32 v1, v4;
	_ =	sdelay $0x3  }
0x374: {  	s12 =	simm.s32 $0x3400;
	v3 =	vperm.xlane v3, v2  }
0x375: {  	[tilespmem:s12], [sflag:$0x1] =	stream.indirect_vreg.gather [hbm4b:s2+s3], $0x80, v4, vm0, $0xb8;
	[tilespmem:$0x18400] =	vst v63  }
0x376: {  	s16 =	simm.s32 $0x3C00;
	v3 =	vadd.s32 v1, v3  }
0x377: {  	[tilespmem:s16], [sflag:$0x1] =	stream.indirect_vreg.gather [hbm4b:s5+s3], $0x80, v4, vm0, $0xb8;
	[tilespmem:$0x18400] =	vst v63  }
0x378: {  	s17 =	simm.s32 $0x4400  }
0x379: {  	[tilespmem:s17], [sflag:$0x1] =	stream.indirect_vreg.gather [hbm4b:s6+s3], $0x80, v4, vm0, $0xb8;
	[tilespmem:$0x18400] =	vst v63  }
0x37a: {  	s18 =	simm.s32 $0x4C00  }
0x37b: {  	[tilespmem:s18], [sflag:$0x1] =	stream.indirect_vreg.gather [hbm4b:s2+s3], $0x80, v3, vm0, $0xb8;
	[tilespmem:$0x18400] =	vst v63  }
0x37c: {  	s19 =	simm.s32 $0x5400  }
0x37d: {  	[tilespmem:s19], [sflag:$0x1] =	stream.indirect_vreg.gather [hbm4b:s5+s3], $0x80, v3, vm0, $0xb8;
	[tilespmem:$0x18400] =	vst v63  }
0x37e: {  	s12 =	simm.s32 $0x5C00  }
0x37f: {  	[tilespmem:s12], [sflag:$0x1] =	stream.indirect_vreg.gather [hbm4b:s6+s3], $0x80, v3, vm0, $0xb8;
	[tilespmem:$0x18400] =	vst v63  }
0x380: {  	v3 =	vld [tilespmem:$0x2A0];
	_ =	sdelay $0x4  }
0x381: {  	v42 =	vshrl.u32 v3, $0x3  }
0x382: {  	v4 =	vmul.u32 $0x30, v42  }
0x383: {  	v3 =	vand.u32 $0x7, v3  }
0x384: {  	v3 =	vor.u32 v3, v4  }
0x385: {  	v4 =	vperm.xlane v3, v0;
	_ =	sdelay $0x1  }
0x386: {  	v4 =	vadd.s32 v1, v4;
	_ =	sdelay $0x3  }
0x387: {  	s12 =	simm.s32 $0x6400;
	v3 =	vperm.xlane v3, v2  }
0x388: {  	[tilespmem:s12], [sflag:$0x1] =	stream.indirect_vreg.gather [hbm4b:s2+s3], $0x80, v4, vm0, $0xb8;
	[tilespmem:$0x18400] =	vst v63  }
0x389: {  	s20 =	simm.s32 $0x6C00;
	v3 =	vadd.s32 v1, v3  }
0x38a: {  	[tilespmem:s20], [sflag:$0x1] =	stream.indirect_vreg.gather [hbm4b:s5+s3], $0x80, v4, vm0, $0xb8;
	[tilespmem:$0x18400] =	vst v63  }
0x38b: {  	s21 =	simm.s32 $0x7400  }
0x38c: {  	[tilespmem:s21], [sflag:$0x1] =	stream.indirect_vreg.gather [hbm4b:s6+s3], $0x80, v4, vm0, $0xb8;
	[tilespmem:$0x18400] =	vst v63  }
0x38d: {  	s22 =	simm.s32 $0x7C00  }
0x38e: {  	[tilespmem:s22], [sflag:$0x1] =	stream.indirect_vreg.gather [hbm4b:s2+s3], $0x80, v3, vm0, $0xb8;
	[tilespmem:$0x18400] =	vst v63  }
0x38f: {  	s23 =	simm.s32 $0x8400  }
0x390: {  	[tilespmem:s23], [sflag:$0x1] =	stream.indirect_vreg.gather [hbm4b:s5+s3], $0x80, v3, vm0, $0xb8;
	[tilespmem:$0x18400] =	vst v63  }
0x391: {  	s12 =	simm.s32 $0x8C00  }
0x392: {  	[tilespmem:s12], [sflag:$0x1] =	stream.indirect_vreg.gather [hbm4b:s6+s3], $0x80, v3, vm0, $0xb8;
	[tilespmem:$0x18400] =	vst v63  }
0x393: {  	v3 =	vld [tilespmem:$0x2B0];
	_ =	sdelay $0x4  }
0x394: {  	v43 =	vshrl.u32 v3, $0x3  }
0x395: {  	v4 =	vmul.u32 $0x30, v43  }
0x396: {  	v3 =	vand.u32 $0x7, v3  }
0x397: {  	v3 =	vor.u32 v3, v4  }
0x398: {  	v4 =	vperm.xlane v3, v0;
	_ =	sdelay $0x1  }
0x399: {  	v4 =	vadd.s32 v1, v4;
	_ =	sdelay $0x3  }
0x39a: {  	s12 =	simm.s32 $0x9400;
	v3 =	vperm.xlane v3, v2  }
0x39b: {  	[tilespmem:s12], [sflag:$0x1] =	stream.indirect_vreg.gather [hbm4b:s2+s3], $0x80, v4, vm0, $0xb8;
	[tilespmem:$0x18400] =	vst v63  }
0x39c: {  	s24 =	simm.s32 $0x9C00;
	v3 =	vadd.s32 v1, v3  }
0x39d: {  	[tilespmem:s24], [sflag:$0x1] =	stream.indirect_vreg.gather [hbm4b:s5+s3], $0x80, v4, vm0, $0xb8;
	[tilespmem:$0x18400] =	vst v63  }
0x39e: {  	s25 =	simm.s32 $0xA400  }
0x39f: {  	[tilespmem:s25], [sflag:$0x1] =	stream.indirect_vreg.gather [hbm4b:s6+s3], $0x80, v4, vm0, $0xb8;
	[tilespmem:$0x18400] =	vst v63  }
0x3a0: {  	s7 =	simm.s32 $0xAC00  }
0x3a1: {  	[tilespmem:s7], [sflag:$0x1] =	stream.indirect_vreg.gather [hbm4b:s2+s3], $0x80, v3, vm0, $0xb8;
	[tilespmem:$0x18400] =	vst v63  }
0x3a2: {  	s26 =	simm.s32 $0xB400  }
0x3a3: {  	[tilespmem:s26], [sflag:$0x1] =	stream.indirect_vreg.gather [hbm4b:s5+s3], $0x80, v3, vm0, $0xb8;
	[tilespmem:$0x18400] =	vst v63  }
0x3a4: {  	s12 =	simm.s32 $0xBC00  }
0x3a5: {  	[tilespmem:s12], [sflag:$0x1] =	stream.indirect_vreg.gather [hbm4b:s6+s3], $0x80, v3, vm0, $0xb8;
	[tilespmem:$0x18400] =	vst v63  }
0x3a6: {  	_ =	swait.ge [sflag:s10], $0xC000  }
0x3a7: {  	[sflag:s10] =	ssyncset.done $0x0  }
0x3a8: {  	s7 =	rddreg [dreg:$0xd];
	[sflag:s10] =	ssyncadd.s32 $0xFFFF4000  }
0x3a9: {  	[hbm4b:s7+s3] =	stream.linear.scatter [tilespmem:s4], [sflag:$0x4], $0xC000, $0x38;
	[tilespmem:$0x18400] =	vst v63  }
0x3aa: {  	_ =	swait.ge [sflag:s11], $0xC000  }
0x3ab: {  	[sflag:s11] =	ssyncset.done $0x0  }
0x3ac: {  	[sflag:s11] =	ssyncadd.s32 $0xFFFF4000  }
0x3ad: {  	v3 =	vld [tilespmem:$0x2C0];
	_ =	sdelay $0x4  }
0x3ae: {  	v44 =	vshrl.u32 v3, $0x3  }
0x3af: {  	v4 =	vmul.u32 $0x30, v44  }
0x3b0: {  	v3 =	vand.u32 $0x7, v3  }
0x3b1: {  	v3 =	vor.u32 v3, v4  }
0x3b2: {  	v4 =	vperm.xlane v3, v0;
	_ =	sdelay $0x1  }
0x3b3: {  	v4 =	vadd.s32 v1, v4;
	_ =	sdelay $0x3  }
0x3b4: {  	v3 =	vperm.xlane v3, v2  }
0x3b5: {  	[tilespmem:s4], [sflag:$0x2] =	stream.indirect_vreg.gather [hbm4b:s2+s3], $0x80, v4, vm0, $0xb8;
	[tilespmem:$0x18400] =	vst v63  }
0x3b6: {  	s13 =	simm.s32 $0xCC00;
	v3 =	vadd.s32 v1, v3  }
0x3b7: {  	[tilespmem:s13], [sflag:$0x2] =	stream.indirect_vreg.gather [hbm4b:s5+s3], $0x80, v4, vm0, $0xb8;
	[tilespmem:$0x18400] =	vst v63  }
0x3b8: {  	s28 =	simm.s32 $0xD400  }
0x3b9: {  	[tilespmem:s28], [sflag:$0x2] =	stream.indirect_vreg.gather [hbm4b:s6+s3], $0x80, v4, vm0, $0xb8;
	[tilespmem:$0x18400] =	vst v63  }
0x3ba: {  	s13 =	simm.s32 $0xDC00  }
0x3bb: {  	[tilespmem:s13], [sflag:$0x2] =	stream.indirect_vreg.gather [hbm4b:s2+s3], $0x80, v3, vm0, $0xb8;
	[tilespmem:$0x18400] =	vst v63  }
0x3bc: {  	s7 =	simm.s32 $0xE400  }
0x3bd: {  	[tilespmem:s7], [sflag:$0x2] =	stream.indirect_vreg.gather [hbm4b:s5+s3], $0x80, v3, vm0, $0xb8;
	[tilespmem:$0x18400] =	vst v63  }
0x3be: {  	s12 =	simm.s32 $0xEC00  }
0x3bf: {  	[tilespmem:s12], [sflag:$0x2] =	stream.indirect_vreg.gather [hbm4b:s6+s3], $0x80, v3, vm0, $0xb8;
	[tilespmem:$0x18400] =	vst v63  }
0x3c0: {  	v3 =	vld [tilespmem:$0x2D0];
	_ =	sdelay $0x4  }
0x3c1: {  	v45 =	vshrl.u32 v3, $0x3  }
0x3c2: {  	v4 =	vmul.u32 $0x30, v45  }
0x3c3: {  	v3 =	vand.u32 $0x7, v3  }
0x3c4: {  	v3 =	vor.u32 v3, v4  }
0x3c5: {  	v4 =	vperm.xlane v3, v0;
	_ =	sdelay $0x1  }
0x3c6: {  	v4 =	vadd.s32 v1, v4;
	_ =	sdelay $0x3  }
0x3c7: {  	s13 =	simm.s32 $0xF400;
	v3 =	vperm.xlane v3, v2  }
0x3c8: {  	[tilespmem:s13], [sflag:$0x2] =	stream.indirect_vreg.gather [hbm4b:s2+s3], $0x80, v4, vm0, $0xb8;
	[tilespmem:$0x18400] =	vst v63  }
0x3c9: {  	s7 =	simm.s32 $0xFC00;
	v3 =	vadd.s32 v1, v3  }
0x3ca: {  	[tilespmem:s7], [sflag:$0x2] =	stream.indirect_vreg.gather [hbm4b:s5+s3], $0x80, v4, vm0, $0xb8;
	[tilespmem:$0x18400] =	vst v63  }
0x3cb: {  	s12 =	simm.s32 $0x10400  }
0x3cc: {  	[tilespmem:s12], [sflag:$0x2] =	stream.indirect_vreg.gather [hbm4b:s6+s3], $0x80, v4, vm0, $0xb8;
	[tilespmem:$0x18400] =	vst v63  }
0x3cd: {  	s13 =	simm.s32 $0x10C00  }
0x3ce: {  	[tilespmem:s13], [sflag:$0x2] =	stream.indirect_vreg.gather [hbm4b:s2+s3], $0x80, v3, vm0, $0xb8;
	[tilespmem:$0x18400] =	vst v63  }
0x3cf: {  	s7 =	simm.s32 $0x11400  }
0x3d0: {  	[tilespmem:s7], [sflag:$0x2] =	stream.indirect_vreg.gather [hbm4b:s5+s3], $0x80, v3, vm0, $0xb8;
	[tilespmem:$0x18400] =	vst v63  }
0x3d1: {  	s12 =	simm.s32 $0x11C00  }
0x3d2: {  	[tilespmem:s12], [sflag:$0x2] =	stream.indirect_vreg.gather [hbm4b:s6+s3], $0x80, v3, vm0, $0xb8;
	[tilespmem:$0x18400] =	vst v63  }
0x3d3: {  	v3 =	vld [tilespmem:$0x2E0];
	_ =	sdelay $0x4  }
0x3d4: {  	v46 =	vshrl.u32 v3, $0x3  }
0x3d5: {  	v4 =	vmul.u32 $0x30, v46  }
0x3d6: {  	v3 =	vand.u32 $0x7, v3  }
0x3d7: {  	v3 =	vor.u32 v3, v4  }
0x3d8: {  	v4 =	vperm.xlane v3, v0;
	_ =	sdelay $0x1  }
0x3d9: {  	v4 =	vadd.s32 v1, v4;
	_ =	sdelay $0x3  }
0x3da: {  	s13 =	simm.s32 $0x12400;
	v3 =	vperm.xlane v3, v2  }
0x3db: {  	[tilespmem:s13], [sflag:$0x2] =	stream.indirect_vreg.gather [hbm4b:s2+s3], $0x80, v4, vm0, $0xb8;
	[tilespmem:$0x18400] =	vst v63  }
0x3dc: {  	s30 =	simm.s32 $0x12C00;
	v3 =	vadd.s32 v1, v3  }
0x3dd: {  	[tilespmem:s30], [sflag:$0x2] =	stream.indirect_vreg.gather [hbm4b:s5+s3], $0x80, v4, vm0, $0xb8;
	[tilespmem:$0x18400] =	vst v63  }
0x3de: {  	s31 =	simm.s32 $0x13400  }
0x3df: {  	[tilespmem:s31], [sflag:$0x2] =	stream.indirect_vreg.gather [hbm4b:s6+s3], $0x80, v4, vm0, $0xb8;
	[tilespmem:$0x18400] =	vst v63  }
0x3e0: {  	s30 =	simm.s32 $0x13C00  }
0x3e1: {  	[tilespmem:s30], [sflag:$0x2] =	stream.indirect_vreg.gather [hbm4b:s2+s3], $0x80, v3, vm0, $0xb8;
	[tilespmem:$0x18400] =	vst v63  }
0x3e2: {  	s31 =	simm.s32 $0x14400  }
0x3e3: {  	[tilespmem:s31], [sflag:$0x2] =	stream.indirect_vreg.gather [hbm4b:s5+s3], $0x80, v3, vm0, $0xb8;
	[tilespmem:$0x18400] =	vst v63  }
0x3e4: {  	s7 =	simm.s32 $0x14C00  }
0x3e5: {  	[tilespmem:s7], [sflag:$0x2] =	stream.indirect_vreg.gather [hbm4b:s6+s3], $0x80, v3, vm0, $0xb8;
	[tilespmem:$0x18400] =	vst v63  }
0x3e6: {  	v3 =	vld [tilespmem:$0x2F0];
	_ =	sdelay $0x4  }
0x3e7: {  	v47 =	vshrl.u32 v3, $0x3  }
0x3e8: {  	v4 =	vmul.u32 $0x30, v47  }
0x3e9: {  	v3 =	vand.u32 $0x7, v3  }
0x3ea: {  	v3 =	vor.u32 v3, v4  }
0x3eb: {  	v4 =	vperm.xlane v3, v0;
	_ =	sdelay $0x1  }
0x3ec: {  	v4 =	vadd.s32 v1, v4;
	_ =	sdelay $0x3  }
0x3ed: {  	s12 =	simm.s32 $0x15400;
	v3 =	vperm.xlane v3, v2  }
0x3ee: {  	[tilespmem:s12], [sflag:$0x2] =	stream.indirect_vreg.gather [hbm4b:s2+s3], $0x80, v4, vm0, $0xb8;
	[tilespmem:$0x18400] =	vst v63  }
0x3ef: {  	s14 =	simm.s32 $0x15C00;
	v3 =	vadd.s32 v1, v3  }
0x3f0: {  	[tilespmem:s14], [sflag:$0x2] =	stream.indirect_vreg.gather [hbm4b:s5+s3], $0x80, v4, vm0, $0xb8;
	[tilespmem:$0x18400] =	vst v63  }
0x3f1: {  	s13 =	simm.s32 $0x16400  }
0x3f2: {  	[tilespmem:s13], [sflag:$0x2] =	stream.indirect_vreg.gather [hbm4b:s6+s3], $0x80, v4, vm0, $0xb8;
	[tilespmem:$0x18400] =	vst v63  }
0x3f3: {  	s14 =	simm.s32 $0x16C00  }
0x3f4: {  	[tilespmem:s14], [sflag:$0x2] =	stream.indirect_vreg.gather [hbm4b:s2+s3], $0x80, v3, vm0, $0xb8;
	[tilespmem:$0x18400] =	vst v63  }
0x3f5: {  	s30 =	simm.s32 $0x17400  }
0x3f6: {  	[tilespmem:s30], [sflag:$0x2] =	stream.indirect_vreg.gather [hbm4b:s5+s3], $0x80, v3, vm0, $0xb8;
	[tilespmem:$0x18400] =	vst v63  }
0x3f7: {  	s31 =	simm.s32 $0x17C00  }
0x3f8: {  	[tilespmem:s31], [sflag:$0x2] =	stream.indirect_vreg.gather [hbm4b:s6+s3], $0x80, v3, vm0, $0xb8;
	[tilespmem:$0x18400] =	vst v63  }
0x3f9: {  	_ =	swait.ge [sflag:s0], $0xC000  }
0x3fa: {  	[sflag:s0] =	ssyncset.done $0x0  }
0x3fb: {  	s7 =	rddreg [dreg:$0xe];
	[sflag:s0] =	ssyncadd.s32 $0xFFFF4000  }
0x3fc: {  	[hbm4b:s7+s3] =	stream.linear.scatter [tilespmem:s29], [sflag:$0x3], $0xC000, $0x38;
	[tilespmem:$0x18400] =	vst v63  }
0x3fd: {  	_ =	swait.ge [sflag:s8], $0xC000  }
0x3fe: {  	[sflag:s8] =	ssyncset.done $0x0  }
0x3ff: {  	[sflag:s8] =	ssyncadd.s32 $0xFFFF4000  }
0x400: {  	v3 =	vld [tilespmem:$0x300];
	_ =	sdelay $0x4  }
0x401: {  	v48 =	vshrl.u32 v3, $0x3  }
0x402: {  	v4 =	vmul.u32 $0x30, v48  }
0x403: {  	v3 =	vand.u32 $0x7, v3  }
0x404: {  	v3 =	vor.u32 v3, v4  }
0x405: {  	v4 =	vperm.xlane v3, v0;
	_ =	sdelay $0x1  }
0x406: {  	v4 =	vadd.s32 v1, v4;
	_ =	sdelay $0x3  }
0x407: {  	v3 =	vperm.xlane v3, v2  }
0x408: {  	[tilespmem:s29], [sflag:$0x1] =	stream.indirect_vreg.gather [hbm4b:s2+s3], $0x80, v4, vm0, $0xb8;
	[tilespmem:$0x18400] =	vst v63  }
0x409: {  	s12 =	simm.s32 $0xC00;
	v3 =	vadd.s32 v1, v3  }
0x40a: {  	[tilespmem:s12], [sflag:$0x1] =	stream.indirect_vreg.gather [hbm4b:s5+s3], $0x80, v4, vm0, $0xb8;
	[tilespmem:$0x18400] =	vst v63  }
0x40b: {  	s13 =	simm.s32 $0x1400  }
0x40c: {  	[tilespmem:s13], [sflag:$0x1] =	stream.indirect_vreg.gather [hbm4b:s6+s3], $0x80, v4, vm0, $0xb8;
	[tilespmem:$0x18400] =	vst v63  }
0x40d: {  	s15 =	simm.s32 $0x1C00  }
0x40e: {  	[tilespmem:s15], [sflag:$0x1] =	stream.indirect_vreg.gather [hbm4b:s2+s3], $0x80, v3, vm0, $0xb8;
	[tilespmem:$0x18400] =	vst v63  }
0x40f: {  	s9 =	simm.s32 $0x2400  }
0x410: {  	[tilespmem:s9], [sflag:$0x1] =	stream.indirect_vreg.gather [hbm4b:s5+s3], $0x80, v3, vm0, $0xb8;
	[tilespmem:$0x18400] =	vst v63  }
0x411: {  	s14 =	simm.s32 $0x2C00  }
0x412: {  	[tilespmem:s14], [sflag:$0x1] =	stream.indirect_vreg.gather [hbm4b:s6+s3], $0x80, v3, vm0, $0xb8;
	[tilespmem:$0x18400] =	vst v63  }
0x413: {  	v3 =	vld [tilespmem:$0x310];
	_ =	sdelay $0x4  }
0x414: {  	v49 =	vshrl.u32 v3, $0x3  }
0x415: {  	v4 =	vmul.u32 $0x30, v49  }
0x416: {  	v3 =	vand.u32 $0x7, v3  }
0x417: {  	v3 =	vor.u32 v3, v4  }
0x418: {  	v4 =	vperm.xlane v3, v0;
	_ =	sdelay $0x1  }
0x419: {  	v4 =	vadd.s32 v1, v4;
	_ =	sdelay $0x3  }
0x41a: {  	s15 =	simm.s32 $0x3400;
	v3 =	vperm.xlane v3, v2  }
0x41b: {  	[tilespmem:s15], [sflag:$0x1] =	stream.indirect_vreg.gather [hbm4b:s2+s3], $0x80, v4, vm0, $0xb8;
	[tilespmem:$0x18400] =	vst v63  }
0x41c: {  	s16 =	simm.s32 $0x3C00;
	v3 =	vadd.s32 v1, v3  }
0x41d: {  	[tilespmem:s16], [sflag:$0x1] =	stream.indirect_vreg.gather [hbm4b:s5+s3], $0x80, v4, vm0, $0xb8;
	[tilespmem:$0x18400] =	vst v63  }
0x41e: {  	s17 =	simm.s32 $0x4400  }
0x41f: {  	[tilespmem:s17], [sflag:$0x1] =	stream.indirect_vreg.gather [hbm4b:s6+s3], $0x80, v4, vm0, $0xb8;
	[tilespmem:$0x18400] =	vst v63  }
0x420: {  	s18 =	simm.s32 $0x4C00  }
0x421: {  	[tilespmem:s18], [sflag:$0x1] =	stream.indirect_vreg.gather [hbm4b:s2+s3], $0x80, v3, vm0, $0xb8;
	[tilespmem:$0x18400] =	vst v63  }
0x422: {  	s19 =	simm.s32 $0x5400  }
0x423: {  	[tilespmem:s19], [sflag:$0x1] =	stream.indirect_vreg.gather [hbm4b:s5+s3], $0x80, v3, vm0, $0xb8;
	[tilespmem:$0x18400] =	vst v63  }
0x424: {  	s30 =	simm.s32 $0x5C00  }
0x425: {  	[tilespmem:s30], [sflag:$0x1] =	stream.indirect_vreg.gather [hbm4b:s6+s3], $0x80, v3, vm0, $0xb8;
	[tilespmem:$0x18400] =	vst v63  }
0x426: {  	v3 =	vld [tilespmem:$0x320];
	_ =	sdelay $0x4  }
0x427: {  	v50 =	vshrl.u32 v3, $0x3  }
0x428: {  	v4 =	vmul.u32 $0x30, v50  }
0x429: {  	v3 =	vand.u32 $0x7, v3  }
0x42a: {  	v3 =	vor.u32 v3, v4  }
0x42b: {  	v4 =	vperm.xlane v3, v0;
	_ =	sdelay $0x1  }
0x42c: {  	v4 =	vadd.s32 v1, v4;
	_ =	sdelay $0x3  }
0x42d: {  	s31 =	simm.s32 $0x6400;
	v3 =	vperm.xlane v3, v2  }
0x42e: {  	[tilespmem:s31], [sflag:$0x1] =	stream.indirect_vreg.gather [hbm4b:s2+s3], $0x80, v4, vm0, $0xb8;
	[tilespmem:$0x18400] =	vst v63  }
0x42f: {  	s20 =	simm.s32 $0x6C00;
	v3 =	vadd.s32 v1, v3  }
0x430: {  	[tilespmem:s20], [sflag:$0x1] =	stream.indirect_vreg.gather [hbm4b:s5+s3], $0x80, v4, vm0, $0xb8;
	[tilespmem:$0x18400] =	vst v63  }
0x431: {  	s21 =	simm.s32 $0x7400  }
0x432: {  	[tilespmem:s21], [sflag:$0x1] =	stream.indirect_vreg.gather [hbm4b:s6+s3], $0x80, v4, vm0, $0xb8;
	[tilespmem:$0x18400] =	vst v63  }
0x433: {  	s22 =	simm.s32 $0x7C00  }
0x434: {  	[tilespmem:s22], [sflag:$0x1] =	stream.indirect_vreg.gather [hbm4b:s2+s3], $0x80, v3, vm0, $0xb8;
	[tilespmem:$0x18400] =	vst v63  }
0x435: {  	s23 =	simm.s32 $0x8400  }
0x436: {  	[tilespmem:s23], [sflag:$0x1] =	stream.indirect_vreg.gather [hbm4b:s5+s3], $0x80, v3, vm0, $0xb8;
	[tilespmem:$0x18400] =	vst v63  }
0x437: {  	s14 =	simm.s32 $0x8C00  }
0x438: {  	[tilespmem:s14], [sflag:$0x1] =	stream.indirect_vreg.gather [hbm4b:s6+s3], $0x80, v3, vm0, $0xb8;
	[tilespmem:$0x18400] =	vst v63  }
0x439: {  	v3 =	vld [tilespmem:$0x330];
	_ =	sdelay $0x4  }
0x43a: {  	v51 =	vshrl.u32 v3, $0x3  }
0x43b: {  	v4 =	vmul.u32 $0x30, v51  }
0x43c: {  	v3 =	vand.u32 $0x7, v3  }
0x43d: {  	v3 =	vor.u32 v3, v4  }
0x43e: {  	v4 =	vperm.xlane v3, v0;
	_ =	sdelay $0x1  }
0x43f: {  	v4 =	vadd.s32 v1, v4;
	_ =	sdelay $0x3  }
0x440: {  	s23 =	simm.s32 $0x9400;
	v3 =	vperm.xlane v3, v2  }
0x441: {  	[tilespmem:s23], [sflag:$0x1] =	stream.indirect_vreg.gather [hbm4b:s2+s3], $0x80, v4, vm0, $0xb8;
	[tilespmem:$0x18400] =	vst v63  }
0x442: {  	s24 =	simm.s32 $0x9C00;
	v3 =	vadd.s32 v1, v3  }
0x443: {  	[tilespmem:s24], [sflag:$0x1] =	stream.indirect_vreg.gather [hbm4b:s5+s3], $0x80, v4, vm0, $0xb8;
	[tilespmem:$0x18400] =	vst v63  }
0x444: {  	s25 =	simm.s32 $0xA400  }
0x445: {  	[tilespmem:s25], [sflag:$0x1] =	stream.indirect_vreg.gather [hbm4b:s6+s3], $0x80, v4, vm0, $0xb8;
	[tilespmem:$0x18400] =	vst v63  }
0x446: {  	s25 =	simm.s32 $0xAC00  }
0x447: {  	[tilespmem:s25], [sflag:$0x1] =	stream.indirect_vreg.gather [hbm4b:s2+s3], $0x80, v3, vm0, $0xb8;
	[tilespmem:$0x18400] =	vst v63  }
0x448: {  	s26 =	simm.s32 $0xB400  }
0x449: {  	[tilespmem:s26], [sflag:$0x1] =	stream.indirect_vreg.gather [hbm4b:s5+s3], $0x80, v3, vm0, $0xb8;
	[tilespmem:$0x18400] =	vst v63  }
0x44a: {  	s30 =	simm.s32 $0xBC00  }
0x44b: {  	[tilespmem:s30], [sflag:$0x1] =	stream.indirect_vreg.gather [hbm4b:s6+s3], $0x80, v3, vm0, $0xb8;
	[tilespmem:$0x18400] =	vst v63  }
0x44c: {  	_ =	swait.ge [sflag:s10], $0xC000  }
0x44d: {  	[sflag:s10] =	ssyncset.done $0x0  }
0x44e: {  	s31 =	rddreg [dreg:$0xf];
	[sflag:s10] =	ssyncadd.s32 $0xFFFF4000  }
0x44f: {  	[hbm4b:s31+s3] =	stream.linear.scatter [tilespmem:s4], [sflag:$0x4], $0xC000, $0x38;
	[tilespmem:$0x18400] =	vst v63  }
0x450: {  	_ =	swait.ge [sflag:s11], $0xC000  }
0x451: {  	[sflag:s11] =	ssyncset.done $0x0  }
0x452: {  	[sflag:s11] =	ssyncadd.s32 $0xFFFF4000  }
0x453: {  	v3 =	vld [tilespmem:$0x340];
	_ =	sdelay $0x4  }
0x454: {  	v52 =	vshrl.u32 v3, $0x3  }
0x455: {  	v4 =	vmul.u32 $0x30, v52  }
0x456: {  	v3 =	vand.u32 $0x7, v3  }
0x457: {  	v3 =	vor.u32 v3, v4  }
0x458: {  	v4 =	vperm.xlane v3, v0;
	_ =	sdelay $0x1  }
0x459: {  	v4 =	vadd.s32 v1, v4;
	_ =	sdelay $0x3  }
0x45a: {  	v3 =	vperm.xlane v3, v2  }
0x45b: {  	[tilespmem:s4], [sflag:$0x2] =	stream.indirect_vreg.gather [hbm4b:s2+s3], $0x80, v4, vm0, $0xb8;
	[tilespmem:$0x18400] =	vst v63  }
0x45c: {  	s26 =	simm.s32 $0xCC00;
	v3 =	vadd.s32 v1, v3  }
0x45d: {  	[tilespmem:s26], [sflag:$0x2] =	stream.indirect_vreg.gather [hbm4b:s5+s3], $0x80, v4, vm0, $0xb8;
	[tilespmem:$0x18400] =	vst v63  }
0x45e: {  	s28 =	simm.s32 $0xD400  }
0x45f: {  	[tilespmem:s28], [sflag:$0x2] =	stream.indirect_vreg.gather [hbm4b:s6+s3], $0x80, v4, vm0, $0xb8;
	[tilespmem:$0x18400] =	vst v63  }
0x460: {  	s30 =	simm.s32 $0xDC00  }
0x461: {  	[tilespmem:s30], [sflag:$0x2] =	stream.indirect_vreg.gather [hbm4b:s2+s3], $0x80, v3, vm0, $0xb8;
	[tilespmem:$0x18400] =	vst v63  }
0x462: {  	s31 =	simm.s32 $0xE400  }
0x463: {  	[tilespmem:s31], [sflag:$0x2] =	stream.indirect_vreg.gather [hbm4b:s5+s3], $0x80, v3, vm0, $0xb8;
	[tilespmem:$0x18400] =	vst v63  }
0x464: {  	s12 =	simm.s32 $0xEC00  }
0x465: {  	[tilespmem:s12], [sflag:$0x2] =	stream.indirect_vreg.gather [hbm4b:s6+s3], $0x80, v3, vm0, $0xb8;
	[tilespmem:$0x18400] =	vst v63  }
0x466: {  	v3 =	vld [tilespmem:$0x350];
	_ =	sdelay $0x4  }
0x467: {  	v53 =	vshrl.u32 v3, $0x3  }
0x468: {  	v4 =	vmul.u32 $0x30, v53  }
0x469: {  	v3 =	vand.u32 $0x7, v3  }
0x46a: {  	v3 =	vor.u32 v3, v4  }
0x46b: {  	v4 =	vperm.xlane v3, v0;
	_ =	sdelay $0x1  }
0x46c: {  	v4 =	vadd.s32 v1, v4;
	_ =	sdelay $0x3  }
0x46d: {  	s12 =	simm.s32 $0xF400;
	v3 =	vperm.xlane v3, v2  }
0x46e: {  	[tilespmem:s12], [sflag:$0x2] =	stream.indirect_vreg.gather [hbm4b:s2+s3], $0x80, v4, vm0, $0xb8;
	[tilespmem:$0x18400] =	vst v63  }
0x46f: {  	v3 =	vadd.s32 v1, v3;
	s12 =	simm.s32 $0xFC00  }
0x470: {  	[tilespmem:s12], [sflag:$0x2] =	stream.indirect_vreg.gather [hbm4b:s5+s3], $0x80, v4, vm0, $0xb8;
	[tilespmem:$0x18400] =	vst v63  }
0x471: {  	s12 =	simm.s32 $0x10400  }
0x472: {  	[tilespmem:s12], [sflag:$0x2] =	stream.indirect_vreg.gather [hbm4b:s6+s3], $0x80, v4, vm0, $0xb8;
	[tilespmem:$0x18400] =	vst v63  }
0x473: {  	s12 =	simm.s32 $0x10C00  }
0x474: {  	[tilespmem:s12], [sflag:$0x2] =	stream.indirect_vreg.gather [hbm4b:s2+s3], $0x80, v3, vm0, $0xb8;
	[tilespmem:$0x18400] =	vst v63  }
0x475: {  	s12 =	simm.s32 $0x11400  }
0x476: {  	[tilespmem:s12], [sflag:$0x2] =	stream.indirect_vreg.gather [hbm4b:s5+s3], $0x80, v3, vm0, $0xb8;
	[tilespmem:$0x18400] =	vst v63  }
0x477: {  	s12 =	simm.s32 $0x11C00  }
0x478: {  	[tilespmem:s12], [sflag:$0x2] =	stream.indirect_vreg.gather [hbm4b:s6+s3], $0x80, v3, vm0, $0xb8;
	[tilespmem:$0x18400] =	vst v63  }
0x479: {  	v3 =	vld [tilespmem:$0x360];
	_ =	sdelay $0x4  }
0x47a: {  	v54 =	vshrl.u32 v3, $0x3  }
0x47b: {  	v4 =	vmul.u32 $0x30, v54  }
0x47c: {  	v3 =	vand.u32 $0x7, v3  }
0x47d: {  	v3 =	vor.u32 v3, v4  }
0x47e: {  	v4 =	vperm.xlane v3, v0;
	_ =	sdelay $0x1  }
0x47f: {  	v4 =	vadd.s32 v1, v4;
	_ =	sdelay $0x3  }
0x480: {  	s12 =	simm.s32 $0x12400;
	v3 =	vperm.xlane v3, v2  }
0x481: {  	[tilespmem:s12], [sflag:$0x2] =	stream.indirect_vreg.gather [hbm4b:s2+s3], $0x80, v4, vm0, $0xb8;
	[tilespmem:$0x18400] =	vst v63  }
0x482: {  	v3 =	vadd.s32 v1, v3;
	s12 =	simm.s32 $0x12C00  }
0x483: {  	[tilespmem:s12], [sflag:$0x2] =	stream.indirect_vreg.gather [hbm4b:s5+s3], $0x80, v4, vm0, $0xb8;
	[tilespmem:$0x18400] =	vst v63  }
0x484: {  	s12 =	simm.s32 $0x13400  }
0x485: {  	[tilespmem:s12], [sflag:$0x2] =	stream.indirect_vreg.gather [hbm4b:s6+s3], $0x80, v4, vm0, $0xb8;
	[tilespmem:$0x18400] =	vst v63  }
0x486: {  	s12 =	simm.s32 $0x13C00  }
0x487: {  	[tilespmem:s12], [sflag:$0x2] =	stream.indirect_vreg.gather [hbm4b:s2+s3], $0x80, v3, vm0, $0xb8;
	[tilespmem:$0x18400] =	vst v63  }
0x488: {  	s12 =	simm.s32 $0x14400  }
0x489: {  	[tilespmem:s12], [sflag:$0x2] =	stream.indirect_vreg.gather [hbm4b:s5+s3], $0x80, v3, vm0, $0xb8;
	[tilespmem:$0x18400] =	vst v63  }
0x48a: {  	s12 =	simm.s32 $0x14C00  }
0x48b: {  	[tilespmem:s12], [sflag:$0x2] =	stream.indirect_vreg.gather [hbm4b:s6+s3], $0x80, v3, vm0, $0xb8;
	[tilespmem:$0x18400] =	vst v63  }
0x48c: {  	v3 =	vld [tilespmem:$0x370];
	_ =	sdelay $0x4  }
0x48d: {  	v55 =	vshrl.u32 v3, $0x3  }
0x48e: {  	v4 =	vmul.u32 $0x30, v55  }
0x48f: {  	v3 =	vand.u32 $0x7, v3  }
0x490: {  	v3 =	vor.u32 v3, v4  }
0x491: {  	v4 =	vperm.xlane v3, v0;
	_ =	sdelay $0x1  }
0x492: {  	v4 =	vadd.s32 v1, v4;
	_ =	sdelay $0x3  }
0x493: {  	s12 =	simm.s32 $0x15400;
	v3 =	vperm.xlane v3, v2  }
0x494: {  	[tilespmem:s12], [sflag:$0x2] =	stream.indirect_vreg.gather [hbm4b:s2+s3], $0x80, v4, vm0, $0xb8;
	[tilespmem:$0x18400] =	vst v63  }
0x495: {  	v3 =	vadd.s32 v1, v3;
	s12 =	simm.s32 $0x15C00  }
0x496: {  	[tilespmem:s12], [sflag:$0x2] =	stream.indirect_vreg.gather [hbm4b:s5+s3], $0x80, v4, vm0, $0xb8;
	[tilespmem:$0x18400] =	vst v63  }
0x497: {  	s12 =	simm.s32 $0x16400  }
0x498: {  	[tilespmem:s12], [sflag:$0x2] =	stream.indirect_vreg.gather [hbm4b:s6+s3], $0x80, v4, vm0, $0xb8;
	[tilespmem:$0x18400] =	vst v63  }
0x499: {  	s12 =	simm.s32 $0x16C00  }
0x49a: {  	[tilespmem:s12], [sflag:$0x2] =	stream.indirect_vreg.gather [hbm4b:s2+s3], $0x80, v3, vm0, $0xb8;
	[tilespmem:$0x18400] =	vst v63  }
0x49b: {  	s12 =	simm.s32 $0x17400  }
0x49c: {  	[tilespmem:s12], [sflag:$0x2] =	stream.indirect_vreg.gather [hbm4b:s5+s3], $0x80, v3, vm0, $0xb8;
	[tilespmem:$0x18400] =	vst v63  }
0x49d: {  	s12 =	simm.s32 $0x17C00  }
0x49e: {  	[tilespmem:s12], [sflag:$0x2] =	stream.indirect_vreg.gather [hbm4b:s6+s3], $0x80, v3, vm0, $0xb8;
	[tilespmem:$0x18400] =	vst v63  }
0x49f: {  	_ =	swait.ge [sflag:s0], $0xC000  }
0x4a0: {  	[sflag:s0] =	ssyncset.done $0x0  }
0x4a1: {  	s12 =	rddreg [dreg:$0x10];
	[sflag:s0] =	ssyncadd.s32 $0xFFFF4000  }
0x4a2: {  	[hbm4b:s12+s3] =	stream.linear.scatter [tilespmem:s29], [sflag:$0x3], $0xC000, $0x38;
	[tilespmem:$0x18400] =	vst v63  }
0x4a3: {  	_ =	swait.ge [sflag:s8], $0xC000  }
0x4a4: {  	[sflag:s8] =	ssyncset.done $0x0  }
0x4a5: {  	[sflag:s8] =	ssyncadd.s32 $0xFFFF4000  }
0x4a6: {  	v3 =	vld [tilespmem:$0x380];
	_ =	sdelay $0x4  }
0x4a7: {  	v56 =	vshrl.u32 v3, $0x3  }
0x4a8: {  	v4 =	vmul.u32 $0x30, v56  }
0x4a9: {  	v3 =	vand.u32 $0x7, v3  }
0x4aa: {  	v3 =	vor.u32 v3, v4  }
0x4ab: {  	v4 =	vperm.xlane v3, v0;
	_ =	sdelay $0x1  }
0x4ac: {  	v4 =	vadd.s32 v1, v4;
	_ =	sdelay $0x3  }
0x4ad: {  	v3 =	vperm.xlane v3, v2  }
0x4ae: {  	[tilespmem:s29], [sflag:$0x1] =	stream.indirect_vreg.gather [hbm4b:s2+s3], $0x80, v4, vm0, $0xb8;
	[tilespmem:$0x18400] =	vst v63  }
0x4af: {  	s1 =	simm.s32 $0xC00;
	v3 =	vadd.s32 v1, v3  }
0x4b0: {  	[tilespmem:s1], [sflag:$0x1] =	stream.indirect_vreg.gather [hbm4b:s5+s3], $0x80, v4, vm0, $0xb8;
	[tilespmem:$0x18400] =	vst v63  }
0x4b1: {  	s7 =	simm.s32 $0x1400  }
0x4b2: {  	[tilespmem:s7], [sflag:$0x1] =	stream.indirect_vreg.gather [hbm4b:s6+s3], $0x80, v4, vm0, $0xb8;
	[tilespmem:$0x18400] =	vst v63  }
0x4b3: {  	s13 =	simm.s32 $0x1C00  }
0x4b4: {  	[tilespmem:s13], [sflag:$0x1] =	stream.indirect_vreg.gather [hbm4b:s2+s3], $0x80, v3, vm0, $0xb8;
	[tilespmem:$0x18400] =	vst v63  }
0x4b5: {  	s9 =	simm.s32 $0x2400  }
0x4b6: {  	[tilespmem:s9], [sflag:$0x1] =	stream.indirect_vreg.gather [hbm4b:s5+s3], $0x80, v3, vm0, $0xb8;
	[tilespmem:$0x18400] =	vst v63  }
0x4b7: {  	s12 =	simm.s32 $0x2C00  }
0x4b8: {  	[tilespmem:s12], [sflag:$0x1] =	stream.indirect_vreg.gather [hbm4b:s6+s3], $0x80, v3, vm0, $0xb8;
	[tilespmem:$0x18400] =	vst v63  }
0x4b9: {  	v3 =	vld [tilespmem:$0x390];
	_ =	sdelay $0x4  }
0x4ba: {  	v57 =	vshrl.u32 v3, $0x3  }
0x4bb: {  	v4 =	vmul.u32 $0x30, v57  }
0x4bc: {  	v3 =	vand.u32 $0x7, v3  }
0x4bd: {  	v3 =	vor.u32 v3, v4  }
0x4be: {  	v4 =	vperm.xlane v3, v0;
	_ =	sdelay $0x1  }
0x4bf: {  	v4 =	vadd.s32 v1, v4;
	_ =	sdelay $0x3  }
0x4c0: {  	s13 =	simm.s32 $0x3400;
	v3 =	vperm.xlane v3, v2  }
0x4c1: {  	[tilespmem:s13], [sflag:$0x1] =	stream.indirect_vreg.gather [hbm4b:s2+s3], $0x80, v4, vm0, $0xb8;
	[tilespmem:$0x18400] =	vst v63  }
0x4c2: {  	s15 =	simm.s32 $0x3C00;
	v3 =	vadd.s32 v1, v3  }
0x4c3: {  	[tilespmem:s15], [sflag:$0x1] =	stream.indirect_vreg.gather [hbm4b:s5+s3], $0x80, v4, vm0, $0xb8;
	[tilespmem:$0x18400] =	vst v63  }
0x4c4: {  	s16 =	simm.s32 $0x4400  }
0x4c5: {  	[tilespmem:s16], [sflag:$0x1] =	stream.indirect_vreg.gather [hbm4b:s6+s3], $0x80, v4, vm0, $0xb8;
	[tilespmem:$0x18400] =	vst v63  }
0x4c6: {  	s17 =	simm.s32 $0x4C00  }
0x4c7: {  	[tilespmem:s17], [sflag:$0x1] =	stream.indirect_vreg.gather [hbm4b:s2+s3], $0x80, v3, vm0, $0xb8;
	[tilespmem:$0x18400] =	vst v63  }
0x4c8: {  	s18 =	simm.s32 $0x5400  }
0x4c9: {  	[tilespmem:s18], [sflag:$0x1] =	stream.indirect_vreg.gather [hbm4b:s5+s3], $0x80, v3, vm0, $0xb8;
	[tilespmem:$0x18400] =	vst v63  }
0x4ca: {  	s17 =	simm.s32 $0x5C00  }
0x4cb: {  	[tilespmem:s17], [sflag:$0x1] =	stream.indirect_vreg.gather [hbm4b:s6+s3], $0x80, v3, vm0, $0xb8;
	[tilespmem:$0x18400] =	vst v63  }
0x4cc: {  	v3 =	vld [tilespmem:$0x3A0];
	_ =	sdelay $0x4  }
0x4cd: {  	v58 =	vshrl.u32 v3, $0x3  }
0x4ce: {  	v4 =	vmul.u32 $0x30, v58  }
0x4cf: {  	v3 =	vand.u32 $0x7, v3  }
0x4d0: {  	v3 =	vor.u32 v3, v4  }
0x4d1: {  	v4 =	vperm.xlane v3, v0;
	_ =	sdelay $0x1  }
0x4d2: {  	v4 =	vadd.s32 v1, v4;
	_ =	sdelay $0x3  }
0x4d3: {  	s18 =	simm.s32 $0x6400;
	v3 =	vperm.xlane v3, v2  }
0x4d4: {  	[tilespmem:s18], [sflag:$0x1] =	stream.indirect_vreg.gather [hbm4b:s2+s3], $0x80, v4, vm0, $0xb8;
	[tilespmem:$0x18400] =	vst v63  }
0x4d5: {  	s19 =	simm.s32 $0x6C00;
	v3 =	vadd.s32 v1, v3  }
0x4d6: {  	[tilespmem:s19], [sflag:$0x1] =	stream.indirect_vreg.gather [hbm4b:s5+s3], $0x80, v4, vm0, $0xb8;
	[tilespmem:$0x18400] =	vst v63  }
0x4d7: {  	s20 =	simm.s32 $0x7400  }
0x4d8: {  	[tilespmem:s20], [sflag:$0x1] =	stream.indirect_vreg.gather [hbm4b:s6+s3], $0x80, v4, vm0, $0xb8;
	[tilespmem:$0x18400] =	vst v63  }
0x4d9: {  	s21 =	simm.s32 $0x7C00  }
0x4da: {  	[tilespmem:s21], [sflag:$0x1] =	stream.indirect_vreg.gather [hbm4b:s2+s3], $0x80, v3, vm0, $0xb8;
	[tilespmem:$0x18400] =	vst v63  }
0x4db: {  	s22 =	simm.s32 $0x8400  }
0x4dc: {  	[tilespmem:s22], [sflag:$0x1] =	stream.indirect_vreg.gather [hbm4b:s5+s3], $0x80, v3, vm0, $0xb8;
	[tilespmem:$0x18400] =	vst v63  }
0x4dd: {  	s21 =	simm.s32 $0x8C00  }
0x4de: {  	[tilespmem:s21], [sflag:$0x1] =	stream.indirect_vreg.gather [hbm4b:s6+s3], $0x80, v3, vm0, $0xb8;
	[tilespmem:$0x18400] =	vst v63  }
0x4df: {  	v3 =	vld [tilespmem:$0x3B0];
	_ =	sdelay $0x4  }
0x4e0: {  	v59 =	vshrl.u32 v3, $0x3  }
0x4e1: {  	v4 =	vmul.u32 $0x30, v59  }
0x4e2: {  	v3 =	vand.u32 $0x7, v3  }
0x4e3: {  	v3 =	vor.u32 v3, v4  }
0x4e4: {  	v4 =	vperm.xlane v3, v0;
	_ =	sdelay $0x1  }
0x4e5: {  	v4 =	vadd.s32 v1, v4;
	_ =	sdelay $0x3  }
0x4e6: {  	s22 =	simm.s32 $0x9400;
	v3 =	vperm.xlane v3, v2  }
0x4e7: {  	[tilespmem:s22], [sflag:$0x1] =	stream.indirect_vreg.gather [hbm4b:s2+s3], $0x80, v4, vm0, $0xb8;
	[tilespmem:$0x18400] =	vst v63  }
0x4e8: {  	s23 =	simm.s32 $0x9C00;
	v3 =	vadd.s32 v1, v3  }
0x4e9: {  	[tilespmem:s23], [sflag:$0x1] =	stream.indirect_vreg.gather [hbm4b:s5+s3], $0x80, v4, vm0, $0xb8;
	[tilespmem:$0x18400] =	vst v63  }
0x4ea: {  	s24 =	simm.s32 $0xA400  }
0x4eb: {  	[tilespmem:s24], [sflag:$0x1] =	stream.indirect_vreg.gather [hbm4b:s6+s3], $0x80, v4, vm0, $0xb8;
	[tilespmem:$0x18400] =	vst v63  }
0x4ec: {  	s25 =	simm.s32 $0xAC00  }
0x4ed: {  	[tilespmem:s25], [sflag:$0x1] =	stream.indirect_vreg.gather [hbm4b:s2+s3], $0x80, v3, vm0, $0xb8;
	[tilespmem:$0x18400] =	vst v63  }
0x4ee: {  	s14 =	simm.s32 $0xB400  }
0x4ef: {  	[tilespmem:s14], [sflag:$0x1] =	stream.indirect_vreg.gather [hbm4b:s5+s3], $0x80, v3, vm0, $0xb8;
	[tilespmem:$0x18400] =	vst v63  }
0x4f0: {  	s24 =	simm.s32 $0xBC00  }
0x4f1: {  	[tilespmem:s24], [sflag:$0x1] =	stream.indirect_vreg.gather [hbm4b:s6+s3], $0x80, v3, vm0, $0xb8;
	[tilespmem:$0x18400] =	vst v63  }
0x4f2: {  	_ =	swait.ge [sflag:s10], $0xC000  }
0x4f3: {  	[sflag:s10] =	ssyncset.done $0x0  }
0x4f4: {  	s25 =	rddreg [dreg:$0x11];
	[sflag:s10] =	ssyncadd.s32 $0xFFFF4000  }
0x4f5: {  	[hbm4b:s25+s3] =	stream.linear.scatter [tilespmem:s4], [sflag:$0x4], $0xC000, $0x38;
	[tilespmem:$0x18400] =	vst v63  }
0x4f6: {  	_ =	swait.ge [sflag:s11], $0xC000  }
0x4f7: {  	[sflag:s11] =	ssyncset.done $0x0  }
0x4f8: {  	[sflag:s11] =	ssyncadd.s32 $0xFFFF4000  }
0x4f9: {  	v3 =	vld [tilespmem:$0x3C0];
	_ =	sdelay $0x4  }
0x4fa: {  	v60 =	vshrl.u32 v3, $0x3  }
0x4fb: {  	v4 =	vmul.u32 $0x30, v60  }
0x4fc: {  	v3 =	vand.u32 $0x7, v3  }
0x4fd: {  	v3 =	vor.u32 v3, v4  }
0x4fe: {  	v4 =	vperm.xlane v3, v0;
	_ =	sdelay $0x1  }
0x4ff: {  	v4 =	vadd.s32 v1, v4;
	_ =	sdelay $0x3  }
0x500: {  	v3 =	vperm.xlane v3, v2  }
0x501: {  	[tilespmem:s4], [sflag:$0x2] =	stream.indirect_vreg.gather [hbm4b:s2+s3], $0x80, v4, vm0, $0xb8;
	[tilespmem:$0x18400] =	vst v63  }
0x502: {  	s26 =	simm.s32 $0xCC00;
	v3 =	vadd.s32 v1, v3  }
0x503: {  	[tilespmem:s26], [sflag:$0x2] =	stream.indirect_vreg.gather [hbm4b:s5+s3], $0x80, v4, vm0, $0xb8;
	[tilespmem:$0x18400] =	vst v63  }
0x504: {  	s28 =	simm.s32 $0xD400  }
0x505: {  	[tilespmem:s28], [sflag:$0x2] =	stream.indirect_vreg.gather [hbm4b:s6+s3], $0x80, v4, vm0, $0xb8;
	[tilespmem:$0x18400] =	vst v63  }
0x506: {  	s30 =	simm.s32 $0xDC00  }
0x507: {  	[tilespmem:s30], [sflag:$0x2] =	stream.indirect_vreg.gather [hbm4b:s2+s3], $0x80, v3, vm0, $0xb8;
	[tilespmem:$0x18400] =	vst v63  }
0x508: {  	s31 =	simm.s32 $0xE400  }
0x509: {  	[tilespmem:s31], [sflag:$0x2] =	stream.indirect_vreg.gather [hbm4b:s5+s3], $0x80, v3, vm0, $0xb8;
	[tilespmem:$0x18400] =	vst v63  }
0x50a: {  	s30 =	simm.s32 $0xEC00  }
0x50b: {  	[tilespmem:s30], [sflag:$0x2] =	stream.indirect_vreg.gather [hbm4b:s6+s3], $0x80, v3, vm0, $0xb8;
	[tilespmem:$0x18400] =	vst v63  }
0x50c: {  	v3 =	vld [tilespmem:$0x3D0];
	_ =	sdelay $0x4  }
0x50d: {  	v61 =	vshrl.u32 v3, $0x3  }
0x50e: {  	v4 =	vmul.u32 $0x30, v61  }
0x50f: {  	v3 =	vand.u32 $0x7, v3  }
0x510: {  	v3 =	vor.u32 v3, v4  }
0x511: {  	v4 =	vperm.xlane v3, v0;
	_ =	sdelay $0x1  }
0x512: {  	v4 =	vadd.s32 v1, v4;
	_ =	sdelay $0x3  }
0x513: {  	s31 =	simm.s32 $0xF400;
	v3 =	vperm.xlane v3, v2  }
0x514: {  	[tilespmem:s31], [sflag:$0x2] =	stream.indirect_vreg.gather [hbm4b:s2+s3], $0x80, v4, vm0, $0xb8;
	[tilespmem:$0x18400] =	vst v63  }
0x515: {  	s9 =	simm.s32 $0xFC00;
	v3 =	vadd.s32 v1, v3  }
0x516: {  	[tilespmem:s9], [sflag:$0x2] =	stream.indirect_vreg.gather [hbm4b:s5+s3], $0x80, v4, vm0, $0xb8;
	[tilespmem:$0x18400] =	vst v63  }
0x517: {  	s12 =	simm.s32 $0x10400  }
0x518: {  	[tilespmem:s12], [sflag:$0x2] =	stream.indirect_vreg.gather [hbm4b:s6+s3], $0x80, v4, vm0, $0xb8;
	[tilespmem:$0x18400] =	vst v63  }
0x519: {  	s13 =	simm.s32 $0x10C00  }
0x51a: {  	[tilespmem:s13], [sflag:$0x2] =	stream.indirect_vreg.gather [hbm4b:s2+s3], $0x80, v3, vm0, $0xb8;
	[tilespmem:$0x18400] =	vst v63  }
0x51b: {  	s14 =	simm.s32 $0x11400  }
0x51c: {  	[tilespmem:s14], [sflag:$0x2] =	stream.indirect_vreg.gather [hbm4b:s5+s3], $0x80, v3, vm0, $0xb8;
	[tilespmem:$0x18400] =	vst v63  }
0x51d: {  	s15 =	simm.s32 $0x11C00  }
0x51e: {  	[tilespmem:s15], [sflag:$0x2] =	stream.indirect_vreg.gather [hbm4b:s6+s3], $0x80, v3, vm0, $0xb8;
	[tilespmem:$0x18400] =	vst v63  }
0x51f: {  	v3 =	vld [tilespmem:$0x3E0];
	_ =	sdelay $0x4  }
0x520: {  	v62 =	vshrl.u32 v3, $0x3  }
0x521: {  	v4 =	vmul.u32 $0x30, v62  }
0x522: {  	v3 =	vand.u32 $0x7, v3  }
0x523: {  	v3 =	vor.u32 v3, v4  }
0x524: {  	v4 =	vperm.xlane v3, v0;
	_ =	sdelay $0x1  }
0x525: {  	v4 =	vadd.s32 v1, v4;
	_ =	sdelay $0x3  }
0x526: {  	s16 =	simm.s32 $0x12400;
	v3 =	vperm.xlane v3, v2  }
0x527: {  	[tilespmem:s16], [sflag:$0x2] =	stream.indirect_vreg.gather [hbm4b:s2+s3], $0x80, v4, vm0, $0xb8;
	[tilespmem:$0x18400] =	vst v63  }
0x528: {  	s17 =	simm.s32 $0x12C00;
	v3 =	vadd.s32 v1, v3  }
0x529: {  	[tilespmem:s17], [sflag:$0x2] =	stream.indirect_vreg.gather [hbm4b:s5+s3], $0x80, v4, vm0, $0xb8;
	[tilespmem:$0x18400] =	vst v63  }
0x52a: {  	s18 =	simm.s32 $0x13400  }
0x52b: {  	[tilespmem:s18], [sflag:$0x2] =	stream.indirect_vreg.gather [hbm4b:s6+s3], $0x80, v4, vm0, $0xb8;
	[tilespmem:$0x18400] =	vst v63  }
0x52c: {  	s19 =	simm.s32 $0x13C00  }
0x52d: {  	[tilespmem:s19], [sflag:$0x2] =	stream.indirect_vreg.gather [hbm4b:s2+s3], $0x80, v3, vm0, $0xb8;
	[tilespmem:$0x18400] =	vst v63  }
0x52e: {  	s20 =	simm.s32 $0x14400  }
0x52f: {  	[tilespmem:s20], [sflag:$0x2] =	stream.indirect_vreg.gather [hbm4b:s5+s3], $0x80, v3, vm0, $0xb8;
	[tilespmem:$0x18400] =	vst v63  }
0x530: {  	s21 =	simm.s32 $0x14C00  }
0x531: {  	[tilespmem:s21], [sflag:$0x2] =	stream.indirect_vreg.gather [hbm4b:s6+s3], $0x80, v3, vm0, $0xb8;
	[tilespmem:$0x18400] =	vst v63  }
0x532: {  	v3 =	vld [tilespmem:$0x3F0];
	_ =	sdelay $0x4  }
0x533: {  	v63 =	vshrl.u32 v3, $0x3  }
0x534: {  	v4 =	vmul.u32 $0x30, v63  }
0x535: {  	v3 =	vand.u32 $0x7, v3  }
0x536: {  	v3 =	vor.u32 v3, v4  }
0x537: {  	v4 =	vperm.xlane v3, v0;
	_ =	sdelay $0x1  }
0x538: {  	v4 =	vadd.s32 v1, v4;
	_ =	sdelay $0x3  }
0x539: {  	s22 =	simm.s32 $0x15400;
	v3 =	vperm.xlane v3, v2  }
0x53a: {  	[tilespmem:s22], [sflag:$0x2] =	stream.indirect_vreg.gather [hbm4b:s2+s3], $0x80, v4, vm0, $0xb8;
	[tilespmem:$0x18400] =	vst v63  }
0x53b: {  	s23 =	simm.s32 $0x15C00;
	v3 =	vadd.s32 v1, v3  }
0x53c: {  	[tilespmem:s23], [sflag:$0x2] =	stream.indirect_vreg.gather [hbm4b:s5+s3], $0x80, v4, vm0, $0xb8;
	[tilespmem:$0x18400] =	vst v63  }
0x53d: {  	s24 =	simm.s32 $0x16400  }
0x53e: {  	[tilespmem:s24], [sflag:$0x2] =	stream.indirect_vreg.gather [hbm4b:s6+s3], $0x80, v4, vm0, $0xb8;
	[tilespmem:$0x18400] =	vst v63  }
0x53f: {  	s25 =	simm.s32 $0x16C00  }
0x540: {  	[tilespmem:s25], [sflag:$0x2] =	stream.indirect_vreg.gather [hbm4b:s2+s3], $0x80, v3, vm0, $0xb8;
	[tilespmem:$0x18400] =	vst v63  }
0x541: {  	s26 =	simm.s32 $0x17400  }
0x542: {  	[tilespmem:s26], [sflag:$0x2] =	stream.indirect_vreg.gather [hbm4b:s5+s3], $0x80, v3, vm0, $0xb8;
	[tilespmem:$0x18400] =	vst v63  }
0x543: {  	s28 =	simm.s32 $0x17C00  }
0x544: {  	[tilespmem:s28], [sflag:$0x2] =	stream.indirect_vreg.gather [hbm4b:s6+s3], $0x80, v3, vm0, $0xb8;
	[tilespmem:$0x18400] =	vst v63  }
0x545: {  	s1 =	rddreg [dreg:$0x17];
	_ =	swait.ge [sflag:s0], $0xC000  }
0x546: {  	[sflag:s0] =	ssyncset.done $0x0  }
0x547: {  	s30 =	rddreg [dreg:$0x12];
	[sflag:s0] =	ssyncadd.s32 $0xFFFF4000  }
0x548: {  	[hbm4b:s30+s3] =	stream.linear.scatter [tilespmem:s29], [sflag:$0x3], $0xC000, $0x38;
	[tilespmem:$0x18400] =	vst v63  }
0x549: {  	_ =	swait.ge [sflag:s10], $0xC000  }
0x54a: {  	[sflag:s10] =	ssyncset.done $0x0  }
0x54b: {  	s31 =	rddreg [dreg:$0x13];
	[sflag:s10] =	ssyncadd.s32 $0xFFFF4000  }
0x54c: {  	[hbm4b:s31+s3] =	stream.linear.scatter [tilespmem:s4], [sflag:$0x4], $0xC000, $0x38;
	[tilespmem:$0x18400] =	vst v63  }
0x54d: {  	p0 =	sne.s32 s1, $0x1;
	_ =	swait.ge [sflag:s8], $0xC000  }
.Ltmp0:
0x54e: {  	[sflag:s8] =	ssyncset.done $0x0;
	(pc) =	sbr.rel @p0 .LBB2_1-.Ltmp0, $4  }
0x54f: {  	[sflag:s8] =	ssyncadd.s32 $0xFFFF4000  }
0x550: {  	_ =	swait.ge [sflag:s11], $0xC000  }
0x551: {  	[sflag:s11] =	ssyncset.done $0x0  }
0x552: {  	s1 =	sadd.s32 $0xFFFFFFFF, s1;
	[sflag:s11] =	ssyncadd.s32 $0xFFFF4000  }
0x553: {  	_ =	sfence.sel $0x180000  }
0x554: {  	[bflag:$0x0] =	sbarrier.arrive $0xFFFF  }
0x555: {  	_ =	strace $0x90000047  }
0x556: {  	s0 =	stileid.u32;
	[bflag:$0x2] =	sbarrier.arrive $0xFFFF  }
0x557: {  	p0 =	sne.s32 s0, $0x0;
	s0 =	rddreg [dreg:$0x3]  }
0x558: {  	s0 =	sadd.s32 @!p0 $0x100000, s0  }
0x559: {  	[sflag:s0] =	ssyncadd.tile.s32 @!p0 $0x1;
	_ =	shalt  }
.Lfunc_end2:
_tile_overlayer_lowered:
.L_overlay_start_2:
0x55a: {  	(tag) =	ssettag $0x2  }
0x55b: {  	s0 =	rddreg [dreg:$0x0];
	s2 =	stileid.u32  }
0x55c: {  	s1 =	rddreg [dreg:$0x1];
	p0 =	sne.s32 s2, $0x0  }
0x55d: {  	s3 =	rddreg [dreg:$0x2];
	[bflag:$0x3] =	sbarrier.arrive $0xFFFF;
	s2 =	simm.s32 @!p0 $0x1C05  }
0x55e: {  	[timem:s3], [sflag:s2] =	dma.local @!p0 [hbm:s0], s1  }
0x55f: {  	s0 =	simm.s32 @!p0 $0x5  }
0x560: {  	_ =	swait.ge @!p0 [sflag:s0], s1  }
0x561: {  	s1 =	ssub.s32 @!p0 $0x0, s1;
	[sflag:s0] =	ssyncset.done @!p0 $0x0  }
0x562: {  	[sflag:s0] =	ssyncadd.s32 @!p0 s1  }
0x563: {  	[bflag:$0x3] =	sbarrier.arrive $0xFFFF  }
0x564: {  	_ =	shalt  }

</sc_bundles>
